<compile_context>
chip_gen: v7x
topology: tpu7x:2x2x1
jax: 0.10.2.dev20260603
libtpu: 0.0.44.dev20260713+nightly
codegen_flags: <defaults>
</compile_context>

<pallas_src>
import functools

import jax
import jax.numpy as jnp
from jax import lax
from jax.experimental import pallas as pl
from jax.experimental.pallas import tpu as pltpu
from jax.experimental.pallas import tpu_sc as plsc

NBINS = 32
LANES = 16
NC = 2
NS = 16
NW = NC * NS
NBUF = 2


def _sc_body(L, D, rows_per_w, chunks, chunk_rows,
             r_hbm, m_hbm, emb_hbm, out_hbm,
             r_v, m_v, table_v, idx_v, buf, gsems, ssems):
    wid = lax.axis_index("s") * NC + lax.axis_index("c")
    row0 = wid * rows_per_w
    p0 = wid * (rows_per_w * L)

    pltpu.sync_copy(r_hbm, r_v.at[pl.ds(0, L)])
    pltpu.sync_copy(m_hbm, m_v.at[pl.ds(0, L)])

    @pl.when(lax.axis_index("s") == 0)
    def _():
        pltpu.sync_copy(emb_hbm, table_v)

    plsc.subcore_barrier()

    jchunks = L // LANES
    chunks_per_row = L // chunk_rows

    def compute_row(ri, carry):
        i = row0 + ri
        r_i = jnp.full((LANES,), 0, jnp.int32) + r_v[pl.ds(i, LANES)][0]
        m_i = jnp.full((LANES,), 0, jnp.int32) + m_v[pl.ds(i, LANES)][0]
        for jj in range(jchunks):
            rj = r_v[pl.ds(jj * LANES, LANES)]
            d = jnp.clip(rj - r_i, -NBINS, NBINS) + (NBINS + 1)
            iv = d * m_i
            c = ri * chunks_per_row + (jj * LANES) // chunk_rows
            off = (jj * LANES) % chunk_rows
            idx_v[c, pl.ds(off, LANES)] = iv
        return carry

    lax.fori_loop(0, rows_per_w, compute_row, 0)

    for b in range(NBUF):
        pltpu.async_copy(table_v.at[idx_v.at[b]], buf.at[b], gsems.at[b])

    def pipe(g, carry):
        for b in range(NBUF):
            k = g * NBUF + b
            pltpu.make_async_copy(table_v.at[idx_v.at[0]], buf.at[b],
                                  gsems.at[b]).wait()
            dst = out_hbm.at[pl.ds(p0 + k * chunk_rows, chunk_rows), :]
            pltpu.async_copy(buf.at[b], dst, ssems.at[b])
            pltpu.make_async_copy(buf.at[b], dst, ssems.at[b]).wait()

            @pl.when(k + NBUF < chunks)
            def _():
                pltpu.async_copy(table_v.at[idx_v.at[k + NBUF]], buf.at[b],
                                 gsems.at[b])
        return carry

    lax.fori_loop(0, chunks // NBUF, pipe, 0)


def kernel(residue_index, mask, embedding):
    B, L = residue_index.shape
    V, D = embedding.shape
    r = residue_index.reshape(L).astype(jnp.int32)
    m = mask.reshape(L).astype(jnp.int32)

    chunk_rows = 128
    rows_per_w = L // NW
    chunks = rows_per_w * (L // chunk_rows)

    mesh = plsc.VectorSubcoreMesh(core_axis_name="c", subcore_axis_name="s",
                                  num_cores=NC, num_subcores=NS)
    body = functools.partial(_sc_body, L, D, rows_per_w, chunks, chunk_rows)
    out = pl.kernel(
        body,
        out_type=jax.ShapeDtypeStruct((L * L, D), jnp.float32),
        mesh=mesh,
        scratch_types=[
            pltpu.VMEM((L + LANES,), jnp.int32),
            pltpu.VMEM((L + LANES,), jnp.int32),
            pltpu.VMEM_SHARED((V, D), jnp.float32),
            pltpu.VMEM((chunks, chunk_rows), jnp.int32),
            pltpu.VMEM((NBUF, chunk_rows, D), jnp.float32),
            pltpu.SemaphoreType.DMA((NBUF,)),
            pltpu.SemaphoreType.DMA((NBUF,)),
        ],
    )(r, m, embedding)
    return out.reshape(B, L, L, D)

# --- scband reference (transcript-rebuilt; emitter-appended) ---
"""Pipeline reference for scband-relative-position-32031866094095 (READ-ONLY COPY).

The authoritative reference and input builder live on the scoring server;
editing this copy changes nothing except your own understanding.
"""

import jax, jax.numpy as jnp
import numpy as np

BINS = 32
D = 128
B = 1
L = 512

def setup_inputs(seed: int = 0) -> dict:
    key = jax.random.key(seed)
    residue_index = jnp.arange(B * L, dtype=jnp.int32).reshape(B, L)
    mask = jnp.ones((B, L), dtype=bool)
    k_emb = jax.random.fold_in(key, 1)
    embedding = jax.random.normal(k_emb, (2 * BINS + 2, D), dtype=jnp.float32)
    return {"residue_index": residue_index, "mask": mask, "embedding": embedding}

def reference(residue_index, mask, embedding):
    # diff[b, i, j] = residue_index[b, j] - residue_index[b, i]
    diff = residue_index[:, None, :] - residue_index[:, :, None]
    diff = jnp.clip(diff, -BINS, BINS)
    diff = diff + BINS + 1
    # torch: diff[mask == 0] = 0  (boolean index over first two dims -> zero whole rows)
    diff = jnp.where(mask[:, :, None], diff, 0)
    # embedding lookup -> gather
    output = jnp.take(embedding, diff, axis=0)
    return output

if __name__ == "__main__":
    import jax
    _d = setup_inputs()
    print(jax.jit(kernel)(*tuple(_d.values())))

</pallas_src>

<mosaic_0001>
#map = affine_map<(d0, d1) -> (0)>
#map1 = affine_map<(d0, d1) -> (0, 0)>
module attributes {stable_mosaic.version = 14 : i64} {
  func.func @_sc_body(%arg0: i32, %arg1: i32, %arg2: memref<512xi32, #tpu.memory_space<hbm>>, %arg3: memref<512xi32, #tpu.memory_space<hbm>>, %arg4: memref<66x128xf32, #tpu.memory_space<hbm>>, %arg5: memref<262144x128xf32, #tpu.memory_space<hbm>>, %arg6: memref<528xi32, #tpu.memory_space<vmem>>, %arg7: memref<528xi32, #tpu.memory_space<vmem>>, %arg8: memref<66x128xf32, #tpu.memory_space<vmem_shared>>, %arg9: memref<64x128xi32, #tpu.memory_space<vmem>>, %arg10: memref<2x128x128xf32, #tpu.memory_space<vmem>>, %arg11: memref<2x!tpu.dma_semaphore, #tpu.memory_space<semaphore_mem>>, %arg12: memref<2x!tpu.dma_semaphore, #tpu.memory_space<semaphore_mem>>) attributes {dimension_semantics = [#tpu.dimension_semantics<core_parallel>, #tpu.dimension_semantics<subcore_parallel>], iteration_bounds = array<i64: 2, 16>, scalar_prefetch = 0 : i64, scratch_operands = 7 : i64, tpu.core_type = #tpu.core_type<sc_vector_subcore>, window_params = [{transform_indices = #map}, {transform_indices = #map}, {transform_indices = #map1}, {transform_indices = #map1}]} {
    %mul3A = arith.constant 2 : i32
    %mul3A_0 = arith.muli %arg1, %mul3A : i32
    %add3A = arith.addi %mul3A_0, %arg0 : i32
    %mul3A_1 = arith.constant 16 : i32
    %mul3A_2 = arith.muli %add3A, %mul3A_1 : i32
    %mul3A_3 = arith.constant 8192 : i32
    %mul3A_4 = arith.muli %add3A, %mul3A_3 : i32
    "tpu.region"() ({
      %run_scoped3A = tpu.sem_alloc : memref<!tpu.dma_semaphore, #tpu.memory_space<semaphore_mem>>
      %dma_start3A_47 = arith.constant 0 : i32
      %dma_start3A_48 = tpu.memref_slice %arg6[%dma_start3A_47] : memref<528xi32, #tpu.memory_space<vmem>> -> memref<512xi32, #tpu.memory_space<vmem>>
      %dma_start3A_49 = arith.constant 0 : i32
      %dma_start3A_50 = tpu.memref_slice %arg6[%dma_start3A_49] : memref<528xi32, #tpu.memory_space<vmem>> -> memref<512xi32, #tpu.memory_space<vmem>>
      tpu.enqueue_dma source(%arg2 : memref<512xi32, #tpu.memory_space<hbm>>) target(%dma_start3A_50 : memref<512xi32, #tpu.memory_space<vmem>>) target_semaphore(%run_scoped3A : memref<!tpu.dma_semaphore, #tpu.memory_space<semaphore_mem>>)
      %dma_wait3A = arith.constant 0 : i32
      %dma_wait3A_51 = tpu.memref_slice %arg6[%dma_wait3A] : memref<528xi32, #tpu.memory_space<vmem>> -> memref<512xi32, #tpu.memory_space<vmem>>
      %dma_wait3A_52 = arith.constant 0 : i32
      %dma_wait3A_53 = tpu.memref_slice %arg6[%dma_wait3A_52] : memref<528xi32, #tpu.memory_space<vmem>> -> memref<512xi32, #tpu.memory_space<vmem>>
      tpu.wait_dma2 semaphore(%run_scoped3A : memref<!tpu.dma_semaphore, #tpu.memory_space<semaphore_mem>>) src(%arg2 : memref<512xi32, #tpu.memory_space<hbm>>) dst(%dma_wait3A_53 : memref<512xi32, #tpu.memory_space<vmem>>)
      tpu.yield
    }) : () -> ()
    "tpu.region"() ({
      %run_scoped3A = tpu.sem_alloc : memref<!tpu.dma_semaphore, #tpu.memory_space<semaphore_mem>>
      %dma_start3A_47 = arith.constant 0 : i32
      %dma_start3A_48 = tpu.memref_slice %arg7[%dma_start3A_47] : memref<528xi32, #tpu.memory_space<vmem>> -> memref<512xi32, #tpu.memory_space<vmem>>
      %dma_start3A_49 = arith.constant 0 : i32
      %dma_start3A_50 = tpu.memref_slice %arg7[%dma_start3A_49] : memref<528xi32, #tpu.memory_space<vmem>> -> memref<512xi32, #tpu.memory_space<vmem>>
      tpu.enqueue_dma source(%arg3 : memref<512xi32, #tpu.memory_space<hbm>>) target(%dma_start3A_50 : memref<512xi32, #tpu.memory_space<vmem>>) target_semaphore(%run_scoped3A : memref<!tpu.dma_semaphore, #tpu.memory_space<semaphore_mem>>)
      %dma_wait3A = arith.constant 0 : i32
      %dma_wait3A_51 = tpu.memref_slice %arg7[%dma_wait3A] : memref<528xi32, #tpu.memory_space<vmem>> -> memref<512xi32, #tpu.memory_space<vmem>>
      %dma_wait3A_52 = arith.constant 0 : i32
      %dma_wait3A_53 = tpu.memref_slice %arg7[%dma_wait3A_52] : memref<528xi32, #tpu.memory_space<vmem>> -> memref<512xi32, #tpu.memory_space<vmem>>
      tpu.wait_dma2 semaphore(%run_scoped3A : memref<!tpu.dma_semaphore, #tpu.memory_space<semaphore_mem>>) src(%arg3 : memref<512xi32, #tpu.memory_space<hbm>>) dst(%dma_wait3A_53 : memref<512xi32, #tpu.memory_space<vmem>>)
      tpu.yield
    }) : () -> ()
    %eq3A = arith.constant 0 : i32
    %eq3A_5 = arith.cmpi eq, %arg1, %eq3A : i32
    %convert_element_type3A = arith.extui %eq3A_5 : i1 to i32
    %cond3A = arith.constant 0 : i32
    %cond3A_6 = arith.cmpi ne, %convert_element_type3A, %cond3A : i32
    scf.if %cond3A_6 {
      "tpu.region"() ({
        %run_scoped3A = tpu.sem_alloc : memref<!tpu.dma_semaphore, #tpu.memory_space<semaphore_mem>>
        tpu.enqueue_dma source(%arg4 : memref<66x128xf32, #tpu.memory_space<hbm>>) target(%arg8 : memref<66x128xf32, #tpu.memory_space<vmem_shared>>) target_semaphore(%run_scoped3A : memref<!tpu.dma_semaphore, #tpu.memory_space<semaphore_mem>>)
        tpu.wait_dma2 semaphore(%run_scoped3A : memref<!tpu.dma_semaphore, #tpu.memory_space<semaphore_mem>>) src(%arg4 : memref<66x128xf32, #tpu.memory_space<hbm>>) dst(%arg8 : memref<66x128xf32, #tpu.memory_space<vmem_shared>>)
        tpu.yield
      }) : () -> ()
    } else {
    }
    %barrier3A = arith.constant 0 : index
    tpu.barrier barrier_id(%barrier3A)
    %scan3A = arith.constant 0 : i32
    %scan3A_7 = arith.constant 0 : i32
    %scan3A_8 = arith.constant 16 : i32
    %scan3A_9 = arith.addi %scan3A_7, %scan3A_8 : i32
    %scan3A_10 = arith.constant 1 : i32
    scf.for %scan3A_47 = %scan3A_7 to %scan3A_9 step %scan3A_10  : i32 {
      %add3A_48 = arith.addi %mul3A_2, %scan3A_47 : i32
      %broadcast_in_dim3A = arith.constant 0 : i32
      %broadcast_in_dim3A_49 = vector.broadcast %broadcast_in_dim3A : i32 to vector<16xi32>
      %get3A = arith.index_cast %add3A_48 : i32 to index
      %get3A_50 = tpu.vector_load %arg6[%get3A] {strides = array<i32>} : memref<528xi32, #tpu.memory_space<vmem>>, vector<16xi32>,
      %get3A_51 = vector.shape_cast %get3A_50 : vector<16xi32> to vector<16xi32>
      %slice3A = vector.extract_strided_slice %get3A_51 {offsets = [0], sizes = [1], strides = [1]} : vector<16xi32> to vector<1xi32>
      %squeeze3A = vector.extract %slice3A[0] : i32 from vector<1xi32>
      %add3A_52 = vector.broadcast %squeeze3A : i32 to vector<16xi32>
      %add3A_53 = arith.addi %broadcast_in_dim3A_49, %add3A_52 : vector<16xi32>
      %broadcast_in_dim3A_54 = arith.constant 0 : i32
      %broadcast_in_dim3A_55 = vector.broadcast %broadcast_in_dim3A_54 : i32 to vector<16xi32>
      %get3A_56 = arith.index_cast %add3A_48 : i32 to index
      %get3A_57 = tpu.vector_load %arg7[%get3A_56] {strides = array<i32>} : memref<528xi32, #tpu.memory_space<vmem>>, vector<16xi32>,
      %get3A_58 = vector.shape_cast %get3A_57 : vector<16xi32> to vector<16xi32>
      %slice3A_59 = vector.extract_strided_slice %get3A_58 {offsets = [0], sizes = [1], strides = [1]} : vector<16xi32> to vector<1xi32>
      %squeeze3A_60 = vector.extract %slice3A_59[0] : i32 from vector<1xi32>
      %add3A_61 = vector.broadcast %squeeze3A_60 : i32 to vector<16xi32>
      %add3A_62 = arith.addi %broadcast_in_dim3A_55, %add3A_61 : vector<16xi32>
      %get3A_63 = arith.constant 0 : index
      %get3A_64 = tpu.vector_load %arg6[%get3A_63] {strides = array<i32>} : memref<528xi32, #tpu.memory_space<vmem>>, vector<16xi32>,
      %get3A_65 = vector.shape_cast %get3A_64 : vector<16xi32> to vector<16xi32>
      %sub3A = arith.subi %get3A_65, %add3A_53 : vector<16xi32>
      %jit3A = arith.constant -32 : i32
      %jit3A_66 = arith.constant 32 : i32
      %max3A = vector.broadcast %jit3A : i32 to vector<16xi32>
      %max3A_67 = arith.maxsi %max3A, %sub3A : vector<16xi32>
      %min3A = vector.broadcast %jit3A_66 : i32 to vector<16xi32>
      %min3A_68 = arith.minsi %min3A, %max3A_67 : vector<16xi32>
      %add3A_69 = arith.constant 33 : i32
      %add3A_70 = vector.broadcast %add3A_69 : i32 to vector<16xi32>
      %add3A_71 = arith.addi %min3A_68, %add3A_70 : vector<16xi32>
      %mul3A_72 = arith.muli %add3A_71, %add3A_62 : vector<16xi32>
      %mul3A_73 = arith.constant 4 : i32
      %mul3A_74 = arith.muli %scan3A_47, %mul3A_73 : i32
      %add3A_75 = arith.constant 0 : i32
      %add3A_76 = arith.addi %mul3A_74, %add3A_75 : i32
      %swap3A = arith.index_cast %add3A_76 : i32 to index
      %swap3A_77 = arith.constant 0 : index
      %swap3A_78 = tpu.vector_load %arg9[%swap3A, %swap3A_77] {strides = array<i32>} : memref<64x128xi32, #tpu.memory_space<vmem>>, vector<1x16xi32>,
      %swap3A_79 = vector.shape_cast %swap3A_78 : vector<1x16xi32> to vector<16xi32>
      %swap3A_80 = vector.shape_cast %mul3A_72 : vector<16xi32> to vector<1x16xi32>
      tpu.vector_store %arg9[%swap3A, %swap3A_77], %swap3A_80 {strides = array<i32>} : memref<64x128xi32, #tpu.memory_space<vmem>>, vector<1x16xi32>,
      %get3A_81 = arith.constant 16 : index
      %get3A_82 = tpu.vector_load %arg6[%get3A_81] {strides = array<i32>} : memref<528xi32, #tpu.memory_space<vmem>>, vector<16xi32>,
      %get3A_83 = vector.shape_cast %get3A_82 : vector<16xi32> to vector<16xi32>
      %sub3A_84 = arith.subi %get3A_83, %add3A_53 : vector<16xi32>
      %jit3A_85 = arith.constant -32 : i32
      %jit3A_86 = arith.constant 32 : i32
      %max3A_87 = vector.broadcast %jit3A_85 : i32 to vector<16xi32>
      %max3A_88 = arith.maxsi %max3A_87, %sub3A_84 : vector<16xi32>
      %min3A_89 = vector.broadcast %jit3A_86 : i32 to vector<16xi32>
      %min3A_90 = arith.minsi %min3A_89, %max3A_88 : vector<16xi32>
      %add3A_91 = arith.constant 33 : i32
      %add3A_92 = vector.broadcast %add3A_91 : i32 to vector<16xi32>
      %add3A_93 = arith.addi %min3A_90, %add3A_92 : vector<16xi32>
      %mul3A_94 = arith.muli %add3A_93, %add3A_62 : vector<16xi32>
      %mul3A_95 = arith.constant 4 : i32
      %mul3A_96 = arith.muli %scan3A_47, %mul3A_95 : i32
      %add3A_97 = arith.constant 0 : i32
      %add3A_98 = arith.addi %mul3A_96, %add3A_97 : i32
      %swap3A_99 = arith.index_cast %add3A_98 : i32 to index
      %swap3A_100 = arith.constant 16 : index
      %swap3A_101 = tpu.vector_load %arg9[%swap3A_99, %swap3A_100] {strides = array<i32>} : memref<64x128xi32, #tpu.memory_space<vmem>>, vector<1x16xi32>,
      %swap3A_102 = vector.shape_cast %swap3A_101 : vector<1x16xi32> to vector<16xi32>
      %swap3A_103 = vector.shape_cast %mul3A_94 : vector<16xi32> to vector<1x16xi32>
      tpu.vector_store %arg9[%swap3A_99, %swap3A_100], %swap3A_103 {strides = array<i32>} : memref<64x128xi32, #tpu.memory_space<vmem>>, vector<1x16xi32>,
      %get3A_104 = arith.constant 32 : index
      %get3A_105 = tpu.vector_load %arg6[%get3A_104] {strides = array<i32>} : memref<528xi32, #tpu.memory_space<vmem>>, vector<16xi32>,
      %get3A_106 = vector.shape_cast %get3A_105 : vector<16xi32> to vector<16xi32>
      %sub3A_107 = arith.subi %get3A_106, %add3A_53 : vector<16xi32>
      %jit3A_108 = arith.constant -32 : i32
      %jit3A_109 = arith.constant 32 : i32
      %max3A_110 = vector.broadcast %jit3A_108 : i32 to vector<16xi32>
      %max3A_111 = arith.maxsi %max3A_110, %sub3A_107 : vector<16xi32>
      %min3A_112 = vector.broadcast %jit3A_109 : i32 to vector<16xi32>
      %min3A_113 = arith.minsi %min3A_112, %max3A_111 : vector<16xi32>
      %add3A_114 = arith.constant 33 : i32
      %add3A_115 = vector.broadcast %add3A_114 : i32 to vector<16xi32>
      %add3A_116 = arith.addi %min3A_113, %add3A_115 : vector<16xi32>
      %mul3A_117 = arith.muli %add3A_116, %add3A_62 : vector<16xi32>
      %mul3A_118 = arith.constant 4 : i32
      %mul3A_119 = arith.muli %scan3A_47, %mul3A_118 : i32
      %add3A_120 = arith.constant 0 : i32
      %add3A_121 = arith.addi %mul3A_119, %add3A_120 : i32
      %swap3A_122 = arith.index_cast %add3A_121 : i32 to index
      %swap3A_123 = arith.constant 32 : index
      %swap3A_124 = tpu.vector_load %arg9[%swap3A_122, %swap3A_123] {strides = array<i32>} : memref<64x128xi32, #tpu.memory_space<vmem>>, vector<1x16xi32>,
      %swap3A_125 = vector.shape_cast %swap3A_124 : vector<1x16xi32> to vector<16xi32>
      %swap3A_126 = vector.shape_cast %mul3A_117 : vector<16xi32> to vector<1x16xi32>
      tpu.vector_store %arg9[%swap3A_122, %swap3A_123], %swap3A_126 {strides = array<i32>} : memref<64x128xi32, #tpu.memory_space<vmem>>, vector<1x16xi32>,
      %get3A_127 = arith.constant 48 : index
      %get3A_128 = tpu.vector_load %arg6[%get3A_127] {strides = array<i32>} : memref<528xi32, #tpu.memory_space<vmem>>, vector<16xi32>,
      %get3A_129 = vector.shape_cast %get3A_128 : vector<16xi32> to vector<16xi32>
      %sub3A_130 = arith.subi %get3A_129, %add3A_53 : vector<16xi32>
      %jit3A_131 = arith.constant -32 : i32
      %jit3A_132 = arith.constant 32 : i32
      %max3A_133 = vector.broadcast %jit3A_131 : i32 to vector<16xi32>
      %max3A_134 = arith.maxsi %max3A_133, %sub3A_130 : vector<16xi32>
      %min3A_135 = vector.broadcast %jit3A_132 : i32 to vector<16xi32>
      %min3A_136 = arith.minsi %min3A_135, %max3A_134 : vector<16xi32>
      %add3A_137 = arith.constant 33 : i32
      %add3A_138 = vector.broadcast %add3A_137 : i32 to vector<16xi32>
      %add3A_139 = arith.addi %min3A_136, %add3A_138 : vector<16xi32>
      %mul3A_140 = arith.muli %add3A_139, %add3A_62 : vector<16xi32>
      %mul3A_141 = arith.constant 4 : i32
      %mul3A_142 = arith.muli %scan3A_47, %mul3A_141 : i32
      %add3A_143 = arith.constant 0 : i32
      %add3A_144 = arith.addi %mul3A_142, %add3A_143 : i32
      %swap3A_145 = arith.index_cast %add3A_144 : i32 to index
      %swap3A_146 = arith.constant 48 : index
      %swap3A_147 = tpu.vector_load %arg9[%swap3A_145, %swap3A_146] {strides = array<i32>} : memref<64x128xi32, #tpu.memory_space<vmem>>, vector<1x16xi32>,
      %swap3A_148 = vector.shape_cast %swap3A_147 : vector<1x16xi32> to vector<16xi32>
      %swap3A_149 = vector.shape_cast %mul3A_140 : vector<16xi32> to vector<1x16xi32>
      tpu.vector_store %arg9[%swap3A_145, %swap3A_146], %swap3A_149 {strides = array<i32>} : memref<64x128xi32, #tpu.memory_space<vmem>>, vector<1x16xi32>,
      %get3A_150 = arith.constant 64 : index
      %get3A_151 = tpu.vector_load %arg6[%get3A_150] {strides = array<i32>} : memref<528xi32, #tpu.memory_space<vmem>>, vector<16xi32>,
      %get3A_152 = vector.shape_cast %get3A_151 : vector<16xi32> to vector<16xi32>
      %sub3A_153 = arith.subi %get3A_152, %add3A_53 : vector<16xi32>
      %jit3A_154 = arith.constant -32 : i32
      %jit3A_155 = arith.constant 32 : i32
      %max3A_156 = vector.broadcast %jit3A_154 : i32 to vector<16xi32>
      %max3A_157 = arith.maxsi %max3A_156, %sub3A_153 : vector<16xi32>
      %min3A_158 = vector.broadcast %jit3A_155 : i32 to vector<16xi32>
      %min3A_159 = arith.minsi %min3A_158, %max3A_157 : vector<16xi32>
      %add3A_160 = arith.constant 33 : i32
      %add3A_161 = vector.broadcast %add3A_160 : i32 to vector<16xi32>
      %add3A_162 = arith.addi %min3A_159, %add3A_161 : vector<16xi32>
      %mul3A_163 = arith.muli %add3A_162, %add3A_62 : vector<16xi32>
      %mul3A_164 = arith.constant 4 : i32
      %mul3A_165 = arith.muli %scan3A_47, %mul3A_164 : i32
      %add3A_166 = arith.constant 0 : i32
      %add3A_167 = arith.addi %mul3A_165, %add3A_166 : i32
      %swap3A_168 = arith.index_cast %add3A_167 : i32 to index
      %swap3A_169 = arith.constant 64 : index
      %swap3A_170 = tpu.vector_load %arg9[%swap3A_168, %swap3A_169] {strides = array<i32>} : memref<64x128xi32, #tpu.memory_space<vmem>>, vector<1x16xi32>,
      %swap3A_171 = vector.shape_cast %swap3A_170 : vector<1x16xi32> to vector<16xi32>
      %swap3A_172 = vector.shape_cast %mul3A_163 : vector<16xi32> to vector<1x16xi32>
      tpu.vector_store %arg9[%swap3A_168, %swap3A_169], %swap3A_172 {strides = array<i32>} : memref<64x128xi32, #tpu.memory_space<vmem>>, vector<1x16xi32>,
      %get3A_173 = arith.constant 80 : index
      %get3A_174 = tpu.vector_load %arg6[%get3A_173] {strides = array<i32>} : memref<528xi32, #tpu.memory_space<vmem>>, vector<16xi32>,
      %get3A_175 = vector.shape_cast %get3A_174 : vector<16xi32> to vector<16xi32>
      %sub3A_176 = arith.subi %get3A_175, %add3A_53 : vector<16xi32>
      %jit3A_177 = arith.constant -32 : i32
      %jit3A_178 = arith.constant 32 : i32
      %max3A_179 = vector.broadcast %jit3A_177 : i32 to vector<16xi32>
      %max3A_180 = arith.maxsi %max3A_179, %sub3A_176 : vector<16xi32>
      %min3A_181 = vector.broadcast %jit3A_178 : i32 to vector<16xi32>
      %min3A_182 = arith.minsi %min3A_181, %max3A_180 : vector<16xi32>
      %add3A_183 = arith.constant 33 : i32
      %add3A_184 = vector.broadcast %add3A_183 : i32 to vector<16xi32>
      %add3A_185 = arith.addi %min3A_182, %add3A_184 : vector<16xi32>
      %mul3A_186 = arith.muli %add3A_185, %add3A_62 : vector<16xi32>
      %mul3A_187 = arith.constant 4 : i32
      %mul3A_188 = arith.muli %scan3A_47, %mul3A_187 : i32
      %add3A_189 = arith.constant 0 : i32
      %add3A_190 = arith.addi %mul3A_188, %add3A_189 : i32
      %swap3A_191 = arith.index_cast %add3A_190 : i32 to index
      %swap3A_192 = arith.constant 80 : index
      %swap3A_193 = tpu.vector_load %arg9[%swap3A_191, %swap3A_192] {strides = array<i32>} : memref<64x128xi32, #tpu.memory_space<vmem>>, vector<1x16xi32>,
      %swap3A_194 = vector.shape_cast %swap3A_193 : vector<1x16xi32> to vector<16xi32>
      %swap3A_195 = vector.shape_cast %mul3A_186 : vector<16xi32> to vector<1x16xi32>
      tpu.vector_store %arg9[%swap3A_191, %swap3A_192], %swap3A_195 {strides = array<i32>} : memref<64x128xi32, #tpu.memory_space<vmem>>, vector<1x16xi32>,
      %get3A_196 = arith.constant 96 : index
      %get3A_197 = tpu.vector_load %arg6[%get3A_196] {strides = array<i32>} : memref<528xi32, #tpu.memory_space<vmem>>, vector<16xi32>,
      %get3A_198 = vector.shape_cast %get3A_197 : vector<16xi32> to vector<16xi32>
      %sub3A_199 = arith.subi %get3A_198, %add3A_53 : vector<16xi32>
      %jit3A_200 = arith.constant -32 : i32
      %jit3A_201 = arith.constant 32 : i32
      %max3A_202 = vector.broadcast %jit3A_200 : i32 to vector<16xi32>
      %max3A_203 = arith.maxsi %max3A_202, %sub3A_199 : vector<16xi32>
      %min3A_204 = vector.broadcast %jit3A_201 : i32 to vector<16xi32>
      %min3A_205 = arith.minsi %min3A_204, %max3A_203 : vector<16xi32>
      %add3A_206 = arith.constant 33 : i32
      %add3A_207 = vector.broadcast %add3A_206 : i32 to vector<16xi32>
      %add3A_208 = arith.addi %min3A_205, %add3A_207 : vector<16xi32>
      %mul3A_209 = arith.muli %add3A_208, %add3A_62 : vector<16xi32>
      %mul3A_210 = arith.constant 4 : i32
      %mul3A_211 = arith.muli %scan3A_47, %mul3A_210 : i32
      %add3A_212 = arith.constant 0 : i32
      %add3A_213 = arith.addi %mul3A_211, %add3A_212 : i32
      %swap3A_214 = arith.index_cast %add3A_213 : i32 to index
      %swap3A_215 = arith.constant 96 : index
      %swap3A_216 = tpu.vector_load %arg9[%swap3A_214, %swap3A_215] {strides = array<i32>} : memref<64x128xi32, #tpu.memory_space<vmem>>, vector<1x16xi32>,
      %swap3A_217 = vector.shape_cast %swap3A_216 : vector<1x16xi32> to vector<16xi32>
      %swap3A_218 = vector.shape_cast %mul3A_209 : vector<16xi32> to vector<1x16xi32>
      tpu.vector_store %arg9[%swap3A_214, %swap3A_215], %swap3A_218 {strides = array<i32>} : memref<64x128xi32, #tpu.memory_space<vmem>>, vector<1x16xi32>,
      %get3A_219 = arith.constant 112 : index
      %get3A_220 = tpu.vector_load %arg6[%get3A_219] {strides = array<i32>} : memref<528xi32, #tpu.memory_space<vmem>>, vector<16xi32>,
      %get3A_221 = vector.shape_cast %get3A_220 : vector<16xi32> to vector<16xi32>
      %sub3A_222 = arith.subi %get3A_221, %add3A_53 : vector<16xi32>
      %jit3A_223 = arith.constant -32 : i32
      %jit3A_224 = arith.constant 32 : i32
      %max3A_225 = vector.broadcast %jit3A_223 : i32 to vector<16xi32>
      %max3A_226 = arith.maxsi %max3A_225, %sub3A_222 : vector<16xi32>
      %min3A_227 = vector.broadcast %jit3A_224 : i32 to vector<16xi32>
      %min3A_228 = arith.minsi %min3A_227, %max3A_226 : vector<16xi32>
      %add3A_229 = arith.constant 33 : i32
      %add3A_230 = vector.broadcast %add3A_229 : i32 to vector<16xi32>
      %add3A_231 = arith.addi %min3A_228, %add3A_230 : vector<16xi32>
      %mul3A_232 = arith.muli %add3A_231, %add3A_62 : vector<16xi32>
      %mul3A_233 = arith.constant 4 : i32
      %mul3A_234 = arith.muli %scan3A_47, %mul3A_233 : i32
      %add3A_235 = arith.constant 0 : i32
      %add3A_236 = arith.addi %mul3A_234, %add3A_235 : i32
      %swap3A_237 = arith.index_cast %add3A_236 : i32 to index
      %swap3A_238 = arith.constant 112 : index
      %swap3A_239 = tpu.vector_load %arg9[%swap3A_237, %swap3A_238] {strides = array<i32>} : memref<64x128xi32, #tpu.memory_space<vmem>>, vector<1x16xi32>,
      %swap3A_240 = vector.shape_cast %swap3A_239 : vector<1x16xi32> to vector<16xi32>
      %swap3A_241 = vector.shape_cast %mul3A_232 : vector<16xi32> to vector<1x16xi32>
      tpu.vector_store %arg9[%swap3A_237, %swap3A_238], %swap3A_241 {strides = array<i32>} : memref<64x128xi32, #tpu.memory_space<vmem>>, vector<1x16xi32>,
      %get3A_242 = arith.constant 128 : index
      %get3A_243 = tpu.vector_load %arg6[%get3A_242] {strides = array<i32>} : memref<528xi32, #tpu.memory_space<vmem>>, vector<16xi32>,
      %get3A_244 = vector.shape_cast %get3A_243 : vector<16xi32> to vector<16xi32>
      %sub3A_245 = arith.subi %get3A_244, %add3A_53 : vector<16xi32>
      %jit3A_246 = arith.constant -32 : i32
      %jit3A_247 = arith.constant 32 : i32
      %max3A_248 = vector.broadcast %jit3A_246 : i32 to vector<16xi32>
      %max3A_249 = arith.maxsi %max3A_248, %sub3A_245 : vector<16xi32>
      %min3A_250 = vector.broadcast %jit3A_247 : i32 to vector<16xi32>
      %min3A_251 = arith.minsi %min3A_250, %max3A_249 : vector<16xi32>
      %add3A_252 = arith.constant 33 : i32
      %add3A_253 = vector.broadcast %add3A_252 : i32 to vector<16xi32>
      %add3A_254 = arith.addi %min3A_251, %add3A_253 : vector<16xi32>
      %mul3A_255 = arith.muli %add3A_254, %add3A_62 : vector<16xi32>
      %mul3A_256 = arith.constant 4 : i32
      %mul3A_257 = arith.muli %scan3A_47, %mul3A_256 : i32
      %add3A_258 = arith.constant 1 : i32
      %add3A_259 = arith.addi %mul3A_257, %add3A_258 : i32
      %swap3A_260 = arith.index_cast %add3A_259 : i32 to index
      %swap3A_261 = arith.constant 0 : index
      %swap3A_262 = tpu.vector_load %arg9[%swap3A_260, %swap3A_261] {strides = array<i32>} : memref<64x128xi32, #tpu.memory_space<vmem>>, vector<1x16xi32>,
      %swap3A_263 = vector.shape_cast %swap3A_262 : vector<1x16xi32> to vector<16xi32>
      %swap3A_264 = vector.shape_cast %mul3A_255 : vector<16xi32> to vector<1x16xi32>
      tpu.vector_store %arg9[%swap3A_260, %swap3A_261], %swap3A_264 {strides = array<i32>} : memref<64x128xi32, #tpu.memory_space<vmem>>, vector<1x16xi32>,
      %get3A_265 = arith.constant 144 : index
      %get3A_266 = tpu.vector_load %arg6[%get3A_265] {strides = array<i32>} : memref<528xi32, #tpu.memory_space<vmem>>, vector<16xi32>,
      %get3A_267 = vector.shape_cast %get3A_266 : vector<16xi32> to vector<16xi32>
      %sub3A_268 = arith.subi %get3A_267, %add3A_53 : vector<16xi32>
      %jit3A_269 = arith.constant -32 : i32
      %jit3A_270 = arith.constant 32 : i32
      %max3A_271 = vector.broadcast %jit3A_269 : i32 to vector<16xi32>
      %max3A_272 = arith.maxsi %max3A_271, %sub3A_268 : vector<16xi32>
      %min3A_273 = vector.broadcast %jit3A_270 : i32 to vector<16xi32>
      %min3A_274 = arith.minsi %min3A_273, %max3A_272 : vector<16xi32>
      %add3A_275 = arith.constant 33 : i32
      %add3A_276 = vector.broadcast %add3A_275 : i32 to vector<16xi32>
      %add3A_277 = arith.addi %min3A_274, %add3A_276 : vector<16xi32>
      %mul3A_278 = arith.muli %add3A_277, %add3A_62 : vector<16xi32>
      %mul3A_279 = arith.constant 4 : i32
      %mul3A_280 = arith.muli %scan3A_47, %mul3A_279 : i32
      %add3A_281 = arith.constant 1 : i32
      %add3A_282 = arith.addi %mul3A_280, %add3A_281 : i32
      %swap3A_283 = arith.index_cast %add3A_282 : i32 to index
      %swap3A_284 = arith.constant 16 : index
      %swap3A_285 = tpu.vector_load %arg9[%swap3A_283, %swap3A_284] {strides = array<i32>} : memref<64x128xi32, #tpu.memory_space<vmem>>, vector<1x16xi32>,
      %swap3A_286 = vector.shape_cast %swap3A_285 : vector<1x16xi32> to vector<16xi32>
      %swap3A_287 = vector.shape_cast %mul3A_278 : vector<16xi32> to vector<1x16xi32>
      tpu.vector_store %arg9[%swap3A_283, %swap3A_284], %swap3A_287 {strides = array<i32>} : memref<64x128xi32, #tpu.memory_space<vmem>>, vector<1x16xi32>,
      %get3A_288 = arith.constant 160 : index
      %get3A_289 = tpu.vector_load %arg6[%get3A_288] {strides = array<i32>} : memref<528xi32, #tpu.memory_space<vmem>>, vector<16xi32>,
      %get3A_290 = vector.shape_cast %get3A_289 : vector<16xi32> to vector<16xi32>
      %sub3A_291 = arith.subi %get3A_290, %add3A_53 : vector<16xi32>
      %jit3A_292 = arith.constant -32 : i32
      %jit3A_293 = arith.constant 32 : i32
      %max3A_294 = vector.broadcast %jit3A_292 : i32 to vector<16xi32>
      %max3A_295 = arith.maxsi %max3A_294, %sub3A_291 : vector<16xi32>
      %min3A_296 = vector.broadcast %jit3A_293 : i32 to vector<16xi32>
      %min3A_297 = arith.minsi %min3A_296, %max3A_295 : vector<16xi32>
      %add3A_298 = arith.constant 33 : i32
      %add3A_299 = vector.broadcast %add3A_298 : i32 to vector<16xi32>
      %add3A_300 = arith.addi %min3A_297, %add3A_299 : vector<16xi32>
      %mul3A_301 = arith.muli %add3A_300, %add3A_62 : vector<16xi32>
      %mul3A_302 = arith.constant 4 : i32
      %mul3A_303 = arith.muli %scan3A_47, %mul3A_302 : i32
      %add3A_304 = arith.constant 1 : i32
      %add3A_305 = arith.addi %mul3A_303, %add3A_304 : i32
      %swap3A_306 = arith.index_cast %add3A_305 : i32 to index
      %swap3A_307 = arith.constant 32 : index
      %swap3A_308 = tpu.vector_load %arg9[%swap3A_306, %swap3A_307] {strides = array<i32>} : memref<64x128xi32, #tpu.memory_space<vmem>>, vector<1x16xi32>,
      %swap3A_309 = vector.shape_cast %swap3A_308 : vector<1x16xi32> to vector<16xi32>
      %swap3A_310 = vector.shape_cast %mul3A_301 : vector<16xi32> to vector<1x16xi32>
      tpu.vector_store %arg9[%swap3A_306, %swap3A_307], %swap3A_310 {strides = array<i32>} : memref<64x128xi32, #tpu.memory_space<vmem>>, vector<1x16xi32>,
      %get3A_311 = arith.constant 176 : index
      %get3A_312 = tpu.vector_load %arg6[%get3A_311] {strides = array<i32>} : memref<528xi32, #tpu.memory_space<vmem>>, vector<16xi32>,
      %get3A_313 = vector.shape_cast %get3A_312 : vector<16xi32> to vector<16xi32>
      %sub3A_314 = arith.subi %get3A_313, %add3A_53 : vector<16xi32>
      %jit3A_315 = arith.constant -32 : i32
      %jit3A_316 = arith.constant 32 : i32
      %max3A_317 = vector.broadcast %jit3A_315 : i32 to vector<16xi32>
      %max3A_318 = arith.maxsi %max3A_317, %sub3A_314 : vector<16xi32>
      %min3A_319 = vector.broadcast %jit3A_316 : i32 to vector<16xi32>
      %min3A_320 = arith.minsi %min3A_319, %max3A_318 : vector<16xi32>
      %add3A_321 = arith.constant 33 : i32
      %add3A_322 = vector.broadcast %add3A_321 : i32 to vector<16xi32>
      %add3A_323 = arith.addi %min3A_320, %add3A_322 : vector<16xi32>
      %mul3A_324 = arith.muli %add3A_323, %add3A_62 : vector<16xi32>
      %mul3A_325 = arith.constant 4 : i32
      %mul3A_326 = arith.muli %scan3A_47, %mul3A_325 : i32
      %add3A_327 = arith.constant 1 : i32
      %add3A_328 = arith.addi %mul3A_326, %add3A_327 : i32
      %swap3A_329 = arith.index_cast %add3A_328 : i32 to index
      %swap3A_330 = arith.constant 48 : index
      %swap3A_331 = tpu.vector_load %arg9[%swap3A_329, %swap3A_330] {strides = array<i32>} : memref<64x128xi32, #tpu.memory_space<vmem>>, vector<1x16xi32>,
      %swap3A_332 = vector.shape_cast %swap3A_331 : vector<1x16xi32> to vector<16xi32>
      %swap3A_333 = vector.shape_cast %mul3A_324 : vector<16xi32> to vector<1x16xi32>
      tpu.vector_store %arg9[%swap3A_329, %swap3A_330], %swap3A_333 {strides = array<i32>} : memref<64x128xi32, #tpu.memory_space<vmem>>, vector<1x16xi32>,
      %get3A_334 = arith.constant 192 : index
      %get3A_335 = tpu.vector_load %arg6[%get3A_334] {strides = array<i32>} : memref<528xi32, #tpu.memory_space<vmem>>, vector<16xi32>,
      %get3A_336 = vector.shape_cast %get3A_335 : vector<16xi32> to vector<16xi32>
      %sub3A_337 = arith.subi %get3A_336, %add3A_53 : vector<16xi32>
      %jit3A_338 = arith.constant -32 : i32
      %jit3A_339 = arith.constant 32 : i32
      %max3A_340 = vector.broadcast %jit3A_338 : i32 to vector<16xi32>
      %max3A_341 = arith.maxsi %max3A_340, %sub3A_337 : vector<16xi32>
      %min3A_342 = vector.broadcast %jit3A_339 : i32 to vector<16xi32>
      %min3A_343 = arith.minsi %min3A_342, %max3A_341 : vector<16xi32>
      %add3A_344 = arith.constant 33 : i32
      %add3A_345 = vector.broadcast %add3A_344 : i32 to vector<16xi32>
      %add3A_346 = arith.addi %min3A_343, %add3A_345 : vector<16xi32>
      %mul3A_347 = arith.muli %add3A_346, %add3A_62 : vector<16xi32>
      %mul3A_348 = arith.constant 4 : i32
      %mul3A_349 = arith.muli %scan3A_47, %mul3A_348 : i32
      %add3A_350 = arith.constant 1 : i32
      %add3A_351 = arith.addi %mul3A_349, %add3A_350 : i32
      %swap3A_352 = arith.index_cast %add3A_351 : i32 to index
      %swap3A_353 = arith.constant 64 : index
      %swap3A_354 = tpu.vector_load %arg9[%swap3A_352, %swap3A_353] {strides = array<i32>} : memref<64x128xi32, #tpu.memory_space<vmem>>, vector<1x16xi32>,
      %swap3A_355 = vector.shape_cast %swap3A_354 : vector<1x16xi32> to vector<16xi32>
      %swap3A_356 = vector.shape_cast %mul3A_347 : vector<16xi32> to vector<1x16xi32>
      tpu.vector_store %arg9[%swap3A_352, %swap3A_353], %swap3A_356 {strides = array<i32>} : memref<64x128xi32, #tpu.memory_space<vmem>>, vector<1x16xi32>,
      %get3A_357 = arith.constant 208 : index
      %get3A_358 = tpu.vector_load %arg6[%get3A_357] {strides = array<i32>} : memref<528xi32, #tpu.memory_space<vmem>>, vector<16xi32>,
      %get3A_359 = vector.shape_cast %get3A_358 : vector<16xi32> to vector<16xi32>
      %sub3A_360 = arith.subi %get3A_359, %add3A_53 : vector<16xi32>
      %jit3A_361 = arith.constant -32 : i32
      %jit3A_362 = arith.constant 32 : i32
      %max3A_363 = vector.broadcast %jit3A_361 : i32 to vector<16xi32>
      %max3A_364 = arith.maxsi %max3A_363, %sub3A_360 : vector<16xi32>
      %min3A_365 = vector.broadcast %jit3A_362 : i32 to vector<16xi32>
      %min3A_366 = arith.minsi %min3A_365, %max3A_364 : vector<16xi32>
      %add3A_367 = arith.constant 33 : i32
      %add3A_368 = vector.broadcast %add3A_367 : i32 to vector<16xi32>
      %add3A_369 = arith.addi %min3A_366, %add3A_368 : vector<16xi32>
      %mul3A_370 = arith.muli %add3A_369, %add3A_62 : vector<16xi32>
      %mul3A_371 = arith.constant 4 : i32
      %mul3A_372 = arith.muli %scan3A_47, %mul3A_371 : i32
      %add3A_373 = arith.constant 1 : i32
      %add3A_374 = arith.addi %mul3A_372, %add3A_373 : i32
      %swap3A_375 = arith.index_cast %add3A_374 : i32 to index
      %swap3A_376 = arith.constant 80 : index
      %swap3A_377 = tpu.vector_load %arg9[%swap3A_375, %swap3A_376] {strides = array<i32>} : memref<64x128xi32, #tpu.memory_space<vmem>>, vector<1x16xi32>,
      %swap3A_378 = vector.shape_cast %swap3A_377 : vector<1x16xi32> to vector<16xi32>
      %swap3A_379 = vector.shape_cast %mul3A_370 : vector<16xi32> to vector<1x16xi32>
      tpu.vector_store %arg9[%swap3A_375, %swap3A_376], %swap3A_379 {strides = array<i32>} : memref<64x128xi32, #tpu.memory_space<vmem>>, vector<1x16xi32>,
      %get3A_380 = arith.constant 224 : index
      %get3A_381 = tpu.vector_load %arg6[%get3A_380] {strides = array<i32>} : memref<528xi32, #tpu.memory_space<vmem>>, vector<16xi32>,
      %get3A_382 = vector.shape_cast %get3A_381 : vector<16xi32> to vector<16xi32>
      %sub3A_383 = arith.subi %get3A_382, %add3A_53 : vector<16xi32>
      %jit3A_384 = arith.constant -32 : i32
      %jit3A_385 = arith.constant 32 : i32
      %max3A_386 = vector.broadcast %jit3A_384 : i32 to vector<16xi32>
      %max3A_387 = arith.maxsi %max3A_386, %sub3A_383 : vector<16xi32>
      %min3A_388 = vector.broadcast %jit3A_385 : i32 to vector<16xi32>
      %min3A_389 = arith.minsi %min3A_388, %max3A_387 : vector<16xi32>
      %add3A_390 = arith.constant 33 : i32
      %add3A_391 = vector.broadcast %add3A_390 : i32 to vector<16xi32>
      %add3A_392 = arith.addi %min3A_389, %add3A_391 : vector<16xi32>
      %mul3A_393 = arith.muli %add3A_392, %add3A_62 : vector<16xi32>
      %mul3A_394 = arith.constant 4 : i32
      %mul3A_395 = arith.muli %scan3A_47, %mul3A_394 : i32
      %add3A_396 = arith.constant 1 : i32
      %add3A_397 = arith.addi %mul3A_395, %add3A_396 : i32
      %swap3A_398 = arith.index_cast %add3A_397 : i32 to index
      %swap3A_399 = arith.constant 96 : index
      %swap3A_400 = tpu.vector_load %arg9[%swap3A_398, %swap3A_399] {strides = array<i32>} : memref<64x128xi32, #tpu.memory_space<vmem>>, vector<1x16xi32>,
      %swap3A_401 = vector.shape_cast %swap3A_400 : vector<1x16xi32> to vector<16xi32>
      %swap3A_402 = vector.shape_cast %mul3A_393 : vector<16xi32> to vector<1x16xi32>
      tpu.vector_store %arg9[%swap3A_398, %swap3A_399], %swap3A_402 {strides = array<i32>} : memref<64x128xi32, #tpu.memory_space<vmem>>, vector<1x16xi32>,
      %get3A_403 = arith.constant 240 : index
      %get3A_404 = tpu.vector_load %arg6[%get3A_403] {strides = array<i32>} : memref<528xi32, #tpu.memory_space<vmem>>, vector<16xi32>,
      %get3A_405 = vector.shape_cast %get3A_404 : vector<16xi32> to vector<16xi32>
      %sub3A_406 = arith.subi %get3A_405, %add3A_53 : vector<16xi32>
      %jit3A_407 = arith.constant -32 : i32
      %jit3A_408 = arith.constant 32 : i32
      %max3A_409 = vector.broadcast %jit3A_407 : i32 to vector<16xi32>
      %max3A_410 = arith.maxsi %max3A_409, %sub3A_406 : vector<16xi32>
      %min3A_411 = vector.broadcast %jit3A_408 : i32 to vector<16xi32>
      %min3A_412 = arith.minsi %min3A_411, %max3A_410 : vector<16xi32>
      %add3A_413 = arith.constant 33 : i32
      %add3A_414 = vector.broadcast %add3A_413 : i32 to vector<16xi32>
      %add3A_415 = arith.addi %min3A_412, %add3A_414 : vector<16xi32>
      %mul3A_416 = arith.muli %add3A_415, %add3A_62 : vector<16xi32>
      %mul3A_417 = arith.constant 4 : i32
      %mul3A_418 = arith.muli %scan3A_47, %mul3A_417 : i32
      %add3A_419 = arith.constant 1 : i32
      %add3A_420 = arith.addi %mul3A_418, %add3A_419 : i32
      %swap3A_421 = arith.index_cast %add3A_420 : i32 to index
      %swap3A_422 = arith.constant 112 : index
      %swap3A_423 = tpu.vector_load %arg9[%swap3A_421, %swap3A_422] {strides = array<i32>} : memref<64x128xi32, #tpu.memory_space<vmem>>, vector<1x16xi32>,
      %swap3A_424 = vector.shape_cast %swap3A_423 : vector<1x16xi32> to vector<16xi32>
      %swap3A_425 = vector.shape_cast %mul3A_416 : vector<16xi32> to vector<1x16xi32>
      tpu.vector_store %arg9[%swap3A_421, %swap3A_422], %swap3A_425 {strides = array<i32>} : memref<64x128xi32, #tpu.memory_space<vmem>>, vector<1x16xi32>,
      %get3A_426 = arith.constant 256 : index
      %get3A_427 = tpu.vector_load %arg6[%get3A_426] {strides = array<i32>} : memref<528xi32, #tpu.memory_space<vmem>>, vector<16xi32>,
      %get3A_428 = vector.shape_cast %get3A_427 : vector<16xi32> to vector<16xi32>
      %sub3A_429 = arith.subi %get3A_428, %add3A_53 : vector<16xi32>
      %jit3A_430 = arith.constant -32 : i32
      %jit3A_431 = arith.constant 32 : i32
      %max3A_432 = vector.broadcast %jit3A_430 : i32 to vector<16xi32>
      %max3A_433 = arith.maxsi %max3A_432, %sub3A_429 : vector<16xi32>
      %min3A_434 = vector.broadcast %jit3A_431 : i32 to vector<16xi32>
      %min3A_435 = arith.minsi %min3A_434, %max3A_433 : vector<16xi32>
      %add3A_436 = arith.constant 33 : i32
      %add3A_437 = vector.broadcast %add3A_436 : i32 to vector<16xi32>
      %add3A_438 = arith.addi %min3A_435, %add3A_437 : vector<16xi32>
      %mul3A_439 = arith.muli %add3A_438, %add3A_62 : vector<16xi32>
      %mul3A_440 = arith.constant 4 : i32
      %mul3A_441 = arith.muli %scan3A_47, %mul3A_440 : i32
      %add3A_442 = arith.constant 2 : i32
      %add3A_443 = arith.addi %mul3A_441, %add3A_442 : i32
      %swap3A_444 = arith.index_cast %add3A_443 : i32 to index
      %swap3A_445 = arith.constant 0 : index
      %swap3A_446 = tpu.vector_load %arg9[%swap3A_444, %swap3A_445] {strides = array<i32>} : memref<64x128xi32, #tpu.memory_space<vmem>>, vector<1x16xi32>,
      %swap3A_447 = vector.shape_cast %swap3A_446 : vector<1x16xi32> to vector<16xi32>
      %swap3A_448 = vector.shape_cast %mul3A_439 : vector<16xi32> to vector<1x16xi32>
      tpu.vector_store %arg9[%swap3A_444, %swap3A_445], %swap3A_448 {strides = array<i32>} : memref<64x128xi32, #tpu.memory_space<vmem>>, vector<1x16xi32>,
      %get3A_449 = arith.constant 272 : index
      %get3A_450 = tpu.vector_load %arg6[%get3A_449] {strides = array<i32>} : memref<528xi32, #tpu.memory_space<vmem>>, vector<16xi32>,
      %get3A_451 = vector.shape_cast %get3A_450 : vector<16xi32> to vector<16xi32>
      %sub3A_452 = arith.subi %get3A_451, %add3A_53 : vector<16xi32>
      %jit3A_453 = arith.constant -32 : i32
      %jit3A_454 = arith.constant 32 : i32
      %max3A_455 = vector.broadcast %jit3A_453 : i32 to vector<16xi32>
      %max3A_456 = arith.maxsi %max3A_455, %sub3A_452 : vector<16xi32>
      %min3A_457 = vector.broadcast %jit3A_454 : i32 to vector<16xi32>
      %min3A_458 = arith.minsi %min3A_457, %max3A_456 : vector<16xi32>
      %add3A_459 = arith.constant 33 : i32
      %add3A_460 = vector.broadcast %add3A_459 : i32 to vector<16xi32>
      %add3A_461 = arith.addi %min3A_458, %add3A_460 : vector<16xi32>
      %mul3A_462 = arith.muli %add3A_461, %add3A_62 : vector<16xi32>
      %mul3A_463 = arith.constant 4 : i32
      %mul3A_464 = arith.muli %scan3A_47, %mul3A_463 : i32
      %add3A_465 = arith.constant 2 : i32
      %add3A_466 = arith.addi %mul3A_464, %add3A_465 : i32
      %swap3A_467 = arith.index_cast %add3A_466 : i32 to index
      %swap3A_468 = arith.constant 16 : index
      %swap3A_469 = tpu.vector_load %arg9[%swap3A_467, %swap3A_468] {strides = array<i32>} : memref<64x128xi32, #tpu.memory_space<vmem>>, vector<1x16xi32>,
      %swap3A_470 = vector.shape_cast %swap3A_469 : vector<1x16xi32> to vector<16xi32>
      %swap3A_471 = vector.shape_cast %mul3A_462 : vector<16xi32> to vector<1x16xi32>
      tpu.vector_store %arg9[%swap3A_467, %swap3A_468], %swap3A_471 {strides = array<i32>} : memref<64x128xi32, #tpu.memory_space<vmem>>, vector<1x16xi32>,
      %get3A_472 = arith.constant 288 : index
      %get3A_473 = tpu.vector_load %arg6[%get3A_472] {strides = array<i32>} : memref<528xi32, #tpu.memory_space<vmem>>, vector<16xi32>,
      %get3A_474 = vector.shape_cast %get3A_473 : vector<16xi32> to vector<16xi32>
      %sub3A_475 = arith.subi %get3A_474, %add3A_53 : vector<16xi32>
      %jit3A_476 = arith.constant -32 : i32
      %jit3A_477 = arith.constant 32 : i32
      %max3A_478 = vector.broadcast %jit3A_476 : i32 to vector<16xi32>
      %max3A_479 = arith.maxsi %max3A_478, %sub3A_475 : vector<16xi32>
      %min3A_480 = vector.broadcast %jit3A_477 : i32 to vector<16xi32>
      %min3A_481 = arith.minsi %min3A_480, %max3A_479 : vector<16xi32>
      %add3A_482 = arith.constant 33 : i32
      %add3A_483 = vector.broadcast %add3A_482 : i32 to vector<16xi32>
      %add3A_484 = arith.addi %min3A_481, %add3A_483 : vector<16xi32>
      %mul3A_485 = arith.muli %add3A_484, %add3A_62 : vector<16xi32>
      %mul3A_486 = arith.constant 4 : i32
      %mul3A_487 = arith.muli %scan3A_47, %mul3A_486 : i32
      %add3A_488 = arith.constant 2 : i32
      %add3A_489 = arith.addi %mul3A_487, %add3A_488 : i32
      %swap3A_490 = arith.index_cast %add3A_489 : i32 to index
      %swap3A_491 = arith.constant 32 : index
      %swap3A_492 = tpu.vector_load %arg9[%swap3A_490, %swap3A_491] {strides = array<i32>} : memref<64x128xi32, #tpu.memory_space<vmem>>, vector<1x16xi32>,
      %swap3A_493 = vector.shape_cast %swap3A_492 : vector<1x16xi32> to vector<16xi32>
      %swap3A_494 = vector.shape_cast %mul3A_485 : vector<16xi32> to vector<1x16xi32>
      tpu.vector_store %arg9[%swap3A_490, %swap3A_491], %swap3A_494 {strides = array<i32>} : memref<64x128xi32, #tpu.memory_space<vmem>>, vector<1x16xi32>,
      %get3A_495 = arith.constant 304 : index
      %get3A_496 = tpu.vector_load %arg6[%get3A_495] {strides = array<i32>} : memref<528xi32, #tpu.memory_space<vmem>>, vector<16xi32>,
      %get3A_497 = vector.shape_cast %get3A_496 : vector<16xi32> to vector<16xi32>
      %sub3A_498 = arith.subi %get3A_497, %add3A_53 : vector<16xi32>
      %jit3A_499 = arith.constant -32 : i32
      %jit3A_500 = arith.constant 32 : i32
      %max3A_501 = vector.broadcast %jit3A_499 : i32 to vector<16xi32>
      %max3A_502 = arith.maxsi %max3A_501, %sub3A_498 : vector<16xi32>
      %min3A_503 = vector.broadcast %jit3A_500 : i32 to vector<16xi32>
      %min3A_504 = arith.minsi %min3A_503, %max3A_502 : vector<16xi32>
      %add3A_505 = arith.constant 33 : i32
      %add3A_506 = vector.broadcast %add3A_505 : i32 to vector<16xi32>
      %add3A_507 = arith.addi %min3A_504, %add3A_506 : vector<16xi32>
      %mul3A_508 = arith.muli %add3A_507, %add3A_62 : vector<16xi32>
      %mul3A_509 = arith.constant 4 : i32
      %mul3A_510 = arith.muli %scan3A_47, %mul3A_509 : i32
      %add3A_511 = arith.constant 2 : i32
      %add3A_512 = arith.addi %mul3A_510, %add3A_511 : i32
      %swap3A_513 = arith.index_cast %add3A_512 : i32 to index
      %swap3A_514 = arith.constant 48 : index
      %swap3A_515 = tpu.vector_load %arg9[%swap3A_513, %swap3A_514] {strides = array<i32>} : memref<64x128xi32, #tpu.memory_space<vmem>>, vector<1x16xi32>,
      %swap3A_516 = vector.shape_cast %swap3A_515 : vector<1x16xi32> to vector<16xi32>
      %swap3A_517 = vector.shape_cast %mul3A_508 : vector<16xi32> to vector<1x16xi32>
      tpu.vector_store %arg9[%swap3A_513, %swap3A_514], %swap3A_517 {strides = array<i32>} : memref<64x128xi32, #tpu.memory_space<vmem>>, vector<1x16xi32>,
      %get3A_518 = arith.constant 320 : index
      %get3A_519 = tpu.vector_load %arg6[%get3A_518] {strides = array<i32>} : memref<528xi32, #tpu.memory_space<vmem>>, vector<16xi32>,
      %get3A_520 = vector.shape_cast %get3A_519 : vector<16xi32> to vector<16xi32>
      %sub3A_521 = arith.subi %get3A_520, %add3A_53 : vector<16xi32>
      %jit3A_522 = arith.constant -32 : i32
      %jit3A_523 = arith.constant 32 : i32
      %max3A_524 = vector.broadcast %jit3A_522 : i32 to vector<16xi32>
      %max3A_525 = arith.maxsi %max3A_524, %sub3A_521 : vector<16xi32>
      %min3A_526 = vector.broadcast %jit3A_523 : i32 to vector<16xi32>
      %min3A_527 = arith.minsi %min3A_526, %max3A_525 : vector<16xi32>
      %add3A_528 = arith.constant 33 : i32
      %add3A_529 = vector.broadcast %add3A_528 : i32 to vector<16xi32>
      %add3A_530 = arith.addi %min3A_527, %add3A_529 : vector<16xi32>
      %mul3A_531 = arith.muli %add3A_530, %add3A_62 : vector<16xi32>
      %mul3A_532 = arith.constant 4 : i32
      %mul3A_533 = arith.muli %scan3A_47, %mul3A_532 : i32
      %add3A_534 = arith.constant 2 : i32
      %add3A_535 = arith.addi %mul3A_533, %add3A_534 : i32
      %swap3A_536 = arith.index_cast %add3A_535 : i32 to index
      %swap3A_537 = arith.constant 64 : index
      %swap3A_538 = tpu.vector_load %arg9[%swap3A_536, %swap3A_537] {strides = array<i32>} : memref<64x128xi32, #tpu.memory_space<vmem>>, vector<1x16xi32>,
      %swap3A_539 = vector.shape_cast %swap3A_538 : vector<1x16xi32> to vector<16xi32>
      %swap3A_540 = vector.shape_cast %mul3A_531 : vector<16xi32> to vector<1x16xi32>
      tpu.vector_store %arg9[%swap3A_536, %swap3A_537], %swap3A_540 {strides = array<i32>} : memref<64x128xi32, #tpu.memory_space<vmem>>, vector<1x16xi32>,
      %get3A_541 = arith.constant 336 : index
      %get3A_542 = tpu.vector_load %arg6[%get3A_541] {strides = array<i32>} : memref<528xi32, #tpu.memory_space<vmem>>, vector<16xi32>,
      %get3A_543 = vector.shape_cast %get3A_542 : vector<16xi32> to vector<16xi32>
      %sub3A_544 = arith.subi %get3A_543, %add3A_53 : vector<16xi32>
      %jit3A_545 = arith.constant -32 : i32
      %jit3A_546 = arith.constant 32 : i32
      %max3A_547 = vector.broadcast %jit3A_545 : i32 to vector<16xi32>
      %max3A_548 = arith.maxsi %max3A_547, %sub3A_544 : vector<16xi32>
      %min3A_549 = vector.broadcast %jit3A_546 : i32 to vector<16xi32>
      %min3A_550 = arith.minsi %min3A_549, %max3A_548 : vector<16xi32>
      %add3A_551 = arith.constant 33 : i32
      %add3A_552 = vector.broadcast %add3A_551 : i32 to vector<16xi32>
      %add3A_553 = arith.addi %min3A_550, %add3A_552 : vector<16xi32>
      %mul3A_554 = arith.muli %add3A_553, %add3A_62 : vector<16xi32>
      %mul3A_555 = arith.constant 4 : i32
      %mul3A_556 = arith.muli %scan3A_47, %mul3A_555 : i32
      %add3A_557 = arith.constant 2 : i32
      %add3A_558 = arith.addi %mul3A_556, %add3A_557 : i32
      %swap3A_559 = arith.index_cast %add3A_558 : i32 to index
      %swap3A_560 = arith.constant 80 : index
      %swap3A_561 = tpu.vector_load %arg9[%swap3A_559, %swap3A_560] {strides = array<i32>} : memref<64x128xi32, #tpu.memory_space<vmem>>, vector<1x16xi32>,
      %swap3A_562 = vector.shape_cast %swap3A_561 : vector<1x16xi32> to vector<16xi32>
      %swap3A_563 = vector.shape_cast %mul3A_554 : vector<16xi32> to vector<1x16xi32>
      tpu.vector_store %arg9[%swap3A_559, %swap3A_560], %swap3A_563 {strides = array<i32>} : memref<64x128xi32, #tpu.memory_space<vmem>>, vector<1x16xi32>,
      %get3A_564 = arith.constant 352 : index
      %get3A_565 = tpu.vector_load %arg6[%get3A_564] {strides = array<i32>} : memref<528xi32, #tpu.memory_space<vmem>>, vector<16xi32>,
      %get3A_566 = vector.shape_cast %get3A_565 : vector<16xi32> to vector<16xi32>
      %sub3A_567 = arith.subi %get3A_566, %add3A_53 : vector<16xi32>
      %jit3A_568 = arith.constant -32 : i32
      %jit3A_569 = arith.constant 32 : i32
      %max3A_570 = vector.broadcast %jit3A_568 : i32 to vector<16xi32>
      %max3A_571 = arith.maxsi %max3A_570, %sub3A_567 : vector<16xi32>
      %min3A_572 = vector.broadcast %jit3A_569 : i32 to vector<16xi32>
      %min3A_573 = arith.minsi %min3A_572, %max3A_571 : vector<16xi32>
      %add3A_574 = arith.constant 33 : i32
      %add3A_575 = vector.broadcast %add3A_574 : i32 to vector<16xi32>
      %add3A_576 = arith.addi %min3A_573, %add3A_575 : vector<16xi32>
      %mul3A_577 = arith.muli %add3A_576, %add3A_62 : vector<16xi32>
      %mul3A_578 = arith.constant 4 : i32
      %mul3A_579 = arith.muli %scan3A_47, %mul3A_578 : i32
      %add3A_580 = arith.constant 2 : i32
      %add3A_581 = arith.addi %mul3A_579, %add3A_580 : i32
      %swap3A_582 = arith.index_cast %add3A_581 : i32 to index
      %swap3A_583 = arith.constant 96 : index
      %swap3A_584 = tpu.vector_load %arg9[%swap3A_582, %swap3A_583] {strides = array<i32>} : memref<64x128xi32, #tpu.memory_space<vmem>>, vector<1x16xi32>,
      %swap3A_585 = vector.shape_cast %swap3A_584 : vector<1x16xi32> to vector<16xi32>
      %swap3A_586 = vector.shape_cast %mul3A_577 : vector<16xi32> to vector<1x16xi32>
      tpu.vector_store %arg9[%swap3A_582, %swap3A_583], %swap3A_586 {strides = array<i32>} : memref<64x128xi32, #tpu.memory_space<vmem>>, vector<1x16xi32>,
      %get3A_587 = arith.constant 368 : index
      %get3A_588 = tpu.vector_load %arg6[%get3A_587] {strides = array<i32>} : memref<528xi32, #tpu.memory_space<vmem>>, vector<16xi32>,
      %get3A_589 = vector.shape_cast %get3A_588 : vector<16xi32> to vector<16xi32>
      %sub3A_590 = arith.subi %get3A_589, %add3A_53 : vector<16xi32>
      %jit3A_591 = arith.constant -32 : i32
      %jit3A_592 = arith.constant 32 : i32
      %max3A_593 = vector.broadcast %jit3A_591 : i32 to vector<16xi32>
      %max3A_594 = arith.maxsi %max3A_593, %sub3A_590 : vector<16xi32>
      %min3A_595 = vector.broadcast %jit3A_592 : i32 to vector<16xi32>
      %min3A_596 = arith.minsi %min3A_595, %max3A_594 : vector<16xi32>
      %add3A_597 = arith.constant 33 : i32
      %add3A_598 = vector.broadcast %add3A_597 : i32 to vector<16xi32>
      %add3A_599 = arith.addi %min3A_596, %add3A_598 : vector<16xi32>
      %mul3A_600 = arith.muli %add3A_599, %add3A_62 : vector<16xi32>
      %mul3A_601 = arith.constant 4 : i32
      %mul3A_602 = arith.muli %scan3A_47, %mul3A_601 : i32
      %add3A_603 = arith.constant 2 : i32
      %add3A_604 = arith.addi %mul3A_602, %add3A_603 : i32
      %swap3A_605 = arith.index_cast %add3A_604 : i32 to index
      %swap3A_606 = arith.constant 112 : index
      %swap3A_607 = tpu.vector_load %arg9[%swap3A_605, %swap3A_606] {strides = array<i32>} : memref<64x128xi32, #tpu.memory_space<vmem>>, vector<1x16xi32>,
      %swap3A_608 = vector.shape_cast %swap3A_607 : vector<1x16xi32> to vector<16xi32>
      %swap3A_609 = vector.shape_cast %mul3A_600 : vector<16xi32> to vector<1x16xi32>
      tpu.vector_store %arg9[%swap3A_605, %swap3A_606], %swap3A_609 {strides = array<i32>} : memref<64x128xi32, #tpu.memory_space<vmem>>, vector<1x16xi32>,
      %get3A_610 = arith.constant 384 : index
      %get3A_611 = tpu.vector_load %arg6[%get3A_610] {strides = array<i32>} : memref<528xi32, #tpu.memory_space<vmem>>, vector<16xi32>,
      %get3A_612 = vector.shape_cast %get3A_611 : vector<16xi32> to vector<16xi32>
      %sub3A_613 = arith.subi %get3A_612, %add3A_53 : vector<16xi32>
      %jit3A_614 = arith.constant -32 : i32
      %jit3A_615 = arith.constant 32 : i32
      %max3A_616 = vector.broadcast %jit3A_614 : i32 to vector<16xi32>
      %max3A_617 = arith.maxsi %max3A_616, %sub3A_613 : vector<16xi32>
      %min3A_618 = vector.broadcast %jit3A_615 : i32 to vector<16xi32>
      %min3A_619 = arith.minsi %min3A_618, %max3A_617 : vector<16xi32>
      %add3A_620 = arith.constant 33 : i32
      %add3A_621 = vector.broadcast %add3A_620 : i32 to vector<16xi32>
      %add3A_622 = arith.addi %min3A_619, %add3A_621 : vector<16xi32>
      %mul3A_623 = arith.muli %add3A_622, %add3A_62 : vector<16xi32>
      %mul3A_624 = arith.constant 4 : i32
      %mul3A_625 = arith.muli %scan3A_47, %mul3A_624 : i32
      %add3A_626 = arith.constant 3 : i32
      %add3A_627 = arith.addi %mul3A_625, %add3A_626 : i32
      %swap3A_628 = arith.index_cast %add3A_627 : i32 to index
      %swap3A_629 = arith.constant 0 : index
      %swap3A_630 = tpu.vector_load %arg9[%swap3A_628, %swap3A_629] {strides = array<i32>} : memref<64x128xi32, #tpu.memory_space<vmem>>, vector<1x16xi32>,
      %swap3A_631 = vector.shape_cast %swap3A_630 : vector<1x16xi32> to vector<16xi32>
      %swap3A_632 = vector.shape_cast %mul3A_623 : vector<16xi32> to vector<1x16xi32>
      tpu.vector_store %arg9[%swap3A_628, %swap3A_629], %swap3A_632 {strides = array<i32>} : memref<64x128xi32, #tpu.memory_space<vmem>>, vector<1x16xi32>,
      %get3A_633 = arith.constant 400 : index
      %get3A_634 = tpu.vector_load %arg6[%get3A_633] {strides = array<i32>} : memref<528xi32, #tpu.memory_space<vmem>>, vector<16xi32>,
      %get3A_635 = vector.shape_cast %get3A_634 : vector<16xi32> to vector<16xi32>
      %sub3A_636 = arith.subi %get3A_635, %add3A_53 : vector<16xi32>
      %jit3A_637 = arith.constant -32 : i32
      %jit3A_638 = arith.constant 32 : i32
      %max3A_639 = vector.broadcast %jit3A_637 : i32 to vector<16xi32>
      %max3A_640 = arith.maxsi %max3A_639, %sub3A_636 : vector<16xi32>
      %min3A_641 = vector.broadcast %jit3A_638 : i32 to vector<16xi32>
      %min3A_642 = arith.minsi %min3A_641, %max3A_640 : vector<16xi32>
      %add3A_643 = arith.constant 33 : i32
      %add3A_644 = vector.broadcast %add3A_643 : i32 to vector<16xi32>
      %add3A_645 = arith.addi %min3A_642, %add3A_644 : vector<16xi32>
      %mul3A_646 = arith.muli %add3A_645, %add3A_62 : vector<16xi32>
      %mul3A_647 = arith.constant 4 : i32
      %mul3A_648 = arith.muli %scan3A_47, %mul3A_647 : i32
      %add3A_649 = arith.constant 3 : i32
      %add3A_650 = arith.addi %mul3A_648, %add3A_649 : i32
      %swap3A_651 = arith.index_cast %add3A_650 : i32 to index
      %swap3A_652 = arith.constant 16 : index
      %swap3A_653 = tpu.vector_load %arg9[%swap3A_651, %swap3A_652] {strides = array<i32>} : memref<64x128xi32, #tpu.memory_space<vmem>>, vector<1x16xi32>,
      %swap3A_654 = vector.shape_cast %swap3A_653 : vector<1x16xi32> to vector<16xi32>
      %swap3A_655 = vector.shape_cast %mul3A_646 : vector<16xi32> to vector<1x16xi32>
      tpu.vector_store %arg9[%swap3A_651, %swap3A_652], %swap3A_655 {strides = array<i32>} : memref<64x128xi32, #tpu.memory_space<vmem>>, vector<1x16xi32>,
      %get3A_656 = arith.constant 416 : index
      %get3A_657 = tpu.vector_load %arg6[%get3A_656] {strides = array<i32>} : memref<528xi32, #tpu.memory_space<vmem>>, vector<16xi32>,
      %get3A_658 = vector.shape_cast %get3A_657 : vector<16xi32> to vector<16xi32>
      %sub3A_659 = arith.subi %get3A_658, %add3A_53 : vector<16xi32>
      %jit3A_660 = arith.constant -32 : i32
      %jit3A_661 = arith.constant 32 : i32
      %max3A_662 = vector.broadcast %jit3A_660 : i32 to vector<16xi32>
      %max3A_663 = arith.maxsi %max3A_662, %sub3A_659 : vector<16xi32>
      %min3A_664 = vector.broadcast %jit3A_661 : i32 to vector<16xi32>
      %min3A_665 = arith.minsi %min3A_664, %max3A_663 : vector<16xi32>
      %add3A_666 = arith.constant 33 : i32
      %add3A_667 = vector.broadcast %add3A_666 : i32 to vector<16xi32>
      %add3A_668 = arith.addi %min3A_665, %add3A_667 : vector<16xi32>
      %mul3A_669 = arith.muli %add3A_668, %add3A_62 : vector<16xi32>
      %mul3A_670 = arith.constant 4 : i32
      %mul3A_671 = arith.muli %scan3A_47, %mul3A_670 : i32
      %add3A_672 = arith.constant 3 : i32
      %add3A_673 = arith.addi %mul3A_671, %add3A_672 : i32
      %swap3A_674 = arith.index_cast %add3A_673 : i32 to index
      %swap3A_675 = arith.constant 32 : index
      %swap3A_676 = tpu.vector_load %arg9[%swap3A_674, %swap3A_675] {strides = array<i32>} : memref<64x128xi32, #tpu.memory_space<vmem>>, vector<1x16xi32>,
      %swap3A_677 = vector.shape_cast %swap3A_676 : vector<1x16xi32> to vector<16xi32>
      %swap3A_678 = vector.shape_cast %mul3A_669 : vector<16xi32> to vector<1x16xi32>
      tpu.vector_store %arg9[%swap3A_674, %swap3A_675], %swap3A_678 {strides = array<i32>} : memref<64x128xi32, #tpu.memory_space<vmem>>, vector<1x16xi32>,
      %get3A_679 = arith.constant 432 : index
      %get3A_680 = tpu.vector_load %arg6[%get3A_679] {strides = array<i32>} : memref<528xi32, #tpu.memory_space<vmem>>, vector<16xi32>,
      %get3A_681 = vector.shape_cast %get3A_680 : vector<16xi32> to vector<16xi32>
      %sub3A_682 = arith.subi %get3A_681, %add3A_53 : vector<16xi32>
      %jit3A_683 = arith.constant -32 : i32
      %jit3A_684 = arith.constant 32 : i32
      %max3A_685 = vector.broadcast %jit3A_683 : i32 to vector<16xi32>
      %max3A_686 = arith.maxsi %max3A_685, %sub3A_682 : vector<16xi32>
      %min3A_687 = vector.broadcast %jit3A_684 : i32 to vector<16xi32>
      %min3A_688 = arith.minsi %min3A_687, %max3A_686 : vector<16xi32>
      %add3A_689 = arith.constant 33 : i32
      %add3A_690 = vector.broadcast %add3A_689 : i32 to vector<16xi32>
      %add3A_691 = arith.addi %min3A_688, %add3A_690 : vector<16xi32>
      %mul3A_692 = arith.muli %add3A_691, %add3A_62 : vector<16xi32>
      %mul3A_693 = arith.constant 4 : i32
      %mul3A_694 = arith.muli %scan3A_47, %mul3A_693 : i32
      %add3A_695 = arith.constant 3 : i32
      %add3A_696 = arith.addi %mul3A_694, %add3A_695 : i32
      %swap3A_697 = arith.index_cast %add3A_696 : i32 to index
      %swap3A_698 = arith.constant 48 : index
      %swap3A_699 = tpu.vector_load %arg9[%swap3A_697, %swap3A_698] {strides = array<i32>} : memref<64x128xi32, #tpu.memory_space<vmem>>, vector<1x16xi32>,
      %swap3A_700 = vector.shape_cast %swap3A_699 : vector<1x16xi32> to vector<16xi32>
      %swap3A_701 = vector.shape_cast %mul3A_692 : vector<16xi32> to vector<1x16xi32>
      tpu.vector_store %arg9[%swap3A_697, %swap3A_698], %swap3A_701 {strides = array<i32>} : memref<64x128xi32, #tpu.memory_space<vmem>>, vector<1x16xi32>,
      %get3A_702 = arith.constant 448 : index
      %get3A_703 = tpu.vector_load %arg6[%get3A_702] {strides = array<i32>} : memref<528xi32, #tpu.memory_space<vmem>>, vector<16xi32>,
      %get3A_704 = vector.shape_cast %get3A_703 : vector<16xi32> to vector<16xi32>
      %sub3A_705 = arith.subi %get3A_704, %add3A_53 : vector<16xi32>
      %jit3A_706 = arith.constant -32 : i32
      %jit3A_707 = arith.constant 32 : i32
      %max3A_708 = vector.broadcast %jit3A_706 : i32 to vector<16xi32>
      %max3A_709 = arith.maxsi %max3A_708, %sub3A_705 : vector<16xi32>
      %min3A_710 = vector.broadcast %jit3A_707 : i32 to vector<16xi32>
      %min3A_711 = arith.minsi %min3A_710, %max3A_709 : vector<16xi32>
      %add3A_712 = arith.constant 33 : i32
      %add3A_713 = vector.broadcast %add3A_712 : i32 to vector<16xi32>
      %add3A_714 = arith.addi %min3A_711, %add3A_713 : vector<16xi32>
      %mul3A_715 = arith.muli %add3A_714, %add3A_62 : vector<16xi32>
      %mul3A_716 = arith.constant 4 : i32
      %mul3A_717 = arith.muli %scan3A_47, %mul3A_716 : i32
      %add3A_718 = arith.constant 3 : i32
      %add3A_719 = arith.addi %mul3A_717, %add3A_718 : i32
      %swap3A_720 = arith.index_cast %add3A_719 : i32 to index
      %swap3A_721 = arith.constant 64 : index
      %swap3A_722 = tpu.vector_load %arg9[%swap3A_720, %swap3A_721] {strides = array<i32>} : memref<64x128xi32, #tpu.memory_space<vmem>>, vector<1x16xi32>,
      %swap3A_723 = vector.shape_cast %swap3A_722 : vector<1x16xi32> to vector<16xi32>
      %swap3A_724 = vector.shape_cast %mul3A_715 : vector<16xi32> to vector<1x16xi32>
      tpu.vector_store %arg9[%swap3A_720, %swap3A_721], %swap3A_724 {strides = array<i32>} : memref<64x128xi32, #tpu.memory_space<vmem>>, vector<1x16xi32>,
      %get3A_725 = arith.constant 464 : index
      %get3A_726 = tpu.vector_load %arg6[%get3A_725] {strides = array<i32>} : memref<528xi32, #tpu.memory_space<vmem>>, vector<16xi32>,
      %get3A_727 = vector.shape_cast %get3A_726 : vector<16xi32> to vector<16xi32>
      %sub3A_728 = arith.subi %get3A_727, %add3A_53 : vector<16xi32>
      %jit3A_729 = arith.constant -32 : i32
      %jit3A_730 = arith.constant 32 : i32
      %max3A_731 = vector.broadcast %jit3A_729 : i32 to vector<16xi32>
      %max3A_732 = arith.maxsi %max3A_731, %sub3A_728 : vector<16xi32>
      %min3A_733 = vector.broadcast %jit3A_730 : i32 to vector<16xi32>
      %min3A_734 = arith.minsi %min3A_733, %max3A_732 : vector<16xi32>
      %add3A_735 = arith.constant 33 : i32
      %add3A_736 = vector.broadcast %add3A_735 : i32 to vector<16xi32>
      %add3A_737 = arith.addi %min3A_734, %add3A_736 : vector<16xi32>
      %mul3A_738 = arith.muli %add3A_737, %add3A_62 : vector<16xi32>
      %mul3A_739 = arith.constant 4 : i32
      %mul3A_740 = arith.muli %scan3A_47, %mul3A_739 : i32
      %add3A_741 = arith.constant 3 : i32
      %add3A_742 = arith.addi %mul3A_740, %add3A_741 : i32
      %swap3A_743 = arith.index_cast %add3A_742 : i32 to index
      %swap3A_744 = arith.constant 80 : index
      %swap3A_745 = tpu.vector_load %arg9[%swap3A_743, %swap3A_744] {strides = array<i32>} : memref<64x128xi32, #tpu.memory_space<vmem>>, vector<1x16xi32>,
      %swap3A_746 = vector.shape_cast %swap3A_745 : vector<1x16xi32> to vector<16xi32>
      %swap3A_747 = vector.shape_cast %mul3A_738 : vector<16xi32> to vector<1x16xi32>
      tpu.vector_store %arg9[%swap3A_743, %swap3A_744], %swap3A_747 {strides = array<i32>} : memref<64x128xi32, #tpu.memory_space<vmem>>, vector<1x16xi32>,
      %get3A_748 = arith.constant 480 : index
      %get3A_749 = tpu.vector_load %arg6[%get3A_748] {strides = array<i32>} : memref<528xi32, #tpu.memory_space<vmem>>, vector<16xi32>,
      %get3A_750 = vector.shape_cast %get3A_749 : vector<16xi32> to vector<16xi32>
      %sub3A_751 = arith.subi %get3A_750, %add3A_53 : vector<16xi32>
      %jit3A_752 = arith.constant -32 : i32
      %jit3A_753 = arith.constant 32 : i32
      %max3A_754 = vector.broadcast %jit3A_752 : i32 to vector<16xi32>
      %max3A_755 = arith.maxsi %max3A_754, %sub3A_751 : vector<16xi32>
      %min3A_756 = vector.broadcast %jit3A_753 : i32 to vector<16xi32>
      %min3A_757 = arith.minsi %min3A_756, %max3A_755 : vector<16xi32>
      %add3A_758 = arith.constant 33 : i32
      %add3A_759 = vector.broadcast %add3A_758 : i32 to vector<16xi32>
      %add3A_760 = arith.addi %min3A_757, %add3A_759 : vector<16xi32>
      %mul3A_761 = arith.muli %add3A_760, %add3A_62 : vector<16xi32>
      %mul3A_762 = arith.constant 4 : i32
      %mul3A_763 = arith.muli %scan3A_47, %mul3A_762 : i32
      %add3A_764 = arith.constant 3 : i32
      %add3A_765 = arith.addi %mul3A_763, %add3A_764 : i32
      %swap3A_766 = arith.index_cast %add3A_765 : i32 to index
      %swap3A_767 = arith.constant 96 : index
      %swap3A_768 = tpu.vector_load %arg9[%swap3A_766, %swap3A_767] {strides = array<i32>} : memref<64x128xi32, #tpu.memory_space<vmem>>, vector<1x16xi32>,
      %swap3A_769 = vector.shape_cast %swap3A_768 : vector<1x16xi32> to vector<16xi32>
      %swap3A_770 = vector.shape_cast %mul3A_761 : vector<16xi32> to vector<1x16xi32>
      tpu.vector_store %arg9[%swap3A_766, %swap3A_767], %swap3A_770 {strides = array<i32>} : memref<64x128xi32, #tpu.memory_space<vmem>>, vector<1x16xi32>,
      %get3A_771 = arith.constant 496 : index
      %get3A_772 = tpu.vector_load %arg6[%get3A_771] {strides = array<i32>} : memref<528xi32, #tpu.memory_space<vmem>>, vector<16xi32>,
      %get3A_773 = vector.shape_cast %get3A_772 : vector<16xi32> to vector<16xi32>
      %sub3A_774 = arith.subi %get3A_773, %add3A_53 : vector<16xi32>
      %jit3A_775 = arith.constant -32 : i32
      %jit3A_776 = arith.constant 32 : i32
      %max3A_777 = vector.broadcast %jit3A_775 : i32 to vector<16xi32>
      %max3A_778 = arith.maxsi %max3A_777, %sub3A_774 : vector<16xi32>
      %min3A_779 = vector.broadcast %jit3A_776 : i32 to vector<16xi32>
      %min3A_780 = arith.minsi %min3A_779, %max3A_778 : vector<16xi32>
      %add3A_781 = arith.constant 33 : i32
      %add3A_782 = vector.broadcast %add3A_781 : i32 to vector<16xi32>
      %add3A_783 = arith.addi %min3A_780, %add3A_782 : vector<16xi32>
      %mul3A_784 = arith.muli %add3A_783, %add3A_62 : vector<16xi32>
      %mul3A_785 = arith.constant 4 : i32
      %mul3A_786 = arith.muli %scan3A_47, %mul3A_785 : i32
      %add3A_787 = arith.constant 3 : i32
      %add3A_788 = arith.addi %mul3A_786, %add3A_787 : i32
      %swap3A_789 = arith.index_cast %add3A_788 : i32 to index
      %swap3A_790 = arith.constant 112 : index
      %swap3A_791 = tpu.vector_load %arg9[%swap3A_789, %swap3A_790] {strides = array<i32>} : memref<64x128xi32, #tpu.memory_space<vmem>>, vector<1x16xi32>,
      %swap3A_792 = vector.shape_cast %swap3A_791 : vector<1x16xi32> to vector<16xi32>
      %swap3A_793 = vector.shape_cast %mul3A_784 : vector<16xi32> to vector<1x16xi32>
      tpu.vector_store %arg9[%swap3A_789, %swap3A_790], %swap3A_793 {strides = array<i32>} : memref<64x128xi32, #tpu.memory_space<vmem>>, vector<1x16xi32>,
    }
    %scan3A_11 = arith.constant 16 : i32
    %dma_start3A = arith.constant 0 : i32
    %dma_start3A_12 = arith.constant 0 : i32
    %dma_start3A_13 = arith.constant 0 : i32
    %dma_start3A_14 = arith.constant 0 : i32
    %dma_start3A_15 = arith.constant 0 : i32
    %dma_start3A_16 = tpu.memref_slice %arg10[%dma_start3A_12, %dma_start3A_14, %dma_start3A_15] : memref<2x128x128xf32, #tpu.memory_space<vmem>> -> memref<1x128x128xf32, #tpu.memory_space<vmem>>
    %dma_start3A_17 = tpu.memref_squeeze %dma_start3A_16 : memref<1x128x128xf32, #tpu.memory_space<vmem>> -> memref<128x128xf32, #tpu.memory_space<vmem>>
    %dma_start3A_18 = arith.constant 0 : i32
    %dma_start3A_19 = tpu.memref_slice %arg9[%dma_start3A, %dma_start3A_18] : memref<64x128xi32, #tpu.memory_space<vmem>> -> memref<1x128xi32, #tpu.memory_space<vmem>>
    %dma_start3A_20 = tpu.memref_squeeze %dma_start3A_19 : memref<1x128xi32, #tpu.memory_space<vmem>> -> memref<128xi32, #tpu.memory_space<vmem>>
    %dma_start3A_21 = arith.constant 0 : i32
    %dma_start3A_22 = arith.constant 0 : i32
    %dma_start3A_23 = tpu.memref_slice %arg8[%dma_start3A_21, %dma_start3A_22] : memref<66x128xf32, #tpu.memory_space<vmem_shared>> -> memref<66x128xf32, #tpu.memory_space<vmem_shared>>
    %dma_start3A_24 = tpu.memref_slice %arg11[%dma_start3A_13] : memref<2x!tpu.dma_semaphore, #tpu.memory_space<semaphore_mem>> -> memref<1x!tpu.dma_semaphore, #tpu.memory_space<semaphore_mem>>
    %dma_start3A_25 = tpu.memref_squeeze %dma_start3A_24 : memref<1x!tpu.dma_semaphore, #tpu.memory_space<semaphore_mem>> -> memref<!tpu.dma_semaphore, #tpu.memory_space<semaphore_mem>>
    tpu.enqueue_indirect_dma source(%dma_start3A_23 : memref<66x128xf32, #tpu.memory_space<vmem_shared>>) target(%dma_start3A_17 : memref<128x128xf32, #tpu.memory_space<vmem>>) offsets(%dma_start3A_20 : memref<128xi32, #tpu.memory_space<vmem>>) semaphore(%dma_start3A_25 : memref<!tpu.dma_semaphore, #tpu.memory_space<semaphore_mem>>)
    %dma_start3A_26 = arith.constant 1 : i32
    %dma_start3A_27 = arith.constant 1 : i32
    %dma_start3A_28 = arith.constant 1 : i32
    %dma_start3A_29 = arith.constant 0 : i32
    %dma_start3A_30 = arith.constant 0 : i32
    %dma_start3A_31 = tpu.memref_slice %arg10[%dma_start3A_27, %dma_start3A_29, %dma_start3A_30] : memref<2x128x128xf32, #tpu.memory_space<vmem>> -> memref<1x128x128xf32, #tpu.memory_space<vmem>>
    %dma_start3A_32 = tpu.memref_squeeze %dma_start3A_31 : memref<1x128x128xf32, #tpu.memory_space<vmem>> -> memref<128x128xf32, #tpu.memory_space<vmem>>
    %dma_start3A_33 = arith.constant 0 : i32
    %dma_start3A_34 = tpu.memref_slice %arg9[%dma_start3A_26, %dma_start3A_33] : memref<64x128xi32, #tpu.memory_space<vmem>> -> memref<1x128xi32, #tpu.memory_space<vmem>>
    %dma_start3A_35 = tpu.memref_squeeze %dma_start3A_34 : memref<1x128xi32, #tpu.memory_space<vmem>> -> memref<128xi32, #tpu.memory_space<vmem>>
    %dma_start3A_36 = arith.constant 0 : i32
    %dma_start3A_37 = arith.constant 0 : i32
    %dma_start3A_38 = tpu.memref_slice %arg8[%dma_start3A_36, %dma_start3A_37] : memref<66x128xf32, #tpu.memory_space<vmem_shared>> -> memref<66x128xf32, #tpu.memory_space<vmem_shared>>
    %dma_start3A_39 = tpu.memref_slice %arg11[%dma_start3A_28] : memref<2x!tpu.dma_semaphore, #tpu.memory_space<semaphore_mem>> -> memref<1x!tpu.dma_semaphore, #tpu.memory_space<semaphore_mem>>
    %dma_start3A_40 = tpu.memref_squeeze %dma_start3A_39 : memref<1x!tpu.dma_semaphore, #tpu.memory_space<semaphore_mem>> -> memref<!tpu.dma_semaphore, #tpu.memory_space<semaphore_mem>>
    tpu.enqueue_indirect_dma source(%dma_start3A_38 : memref<66x128xf32, #tpu.memory_space<vmem_shared>>) target(%dma_start3A_32 : memref<128x128xf32, #tpu.memory_space<vmem>>) offsets(%dma_start3A_35 : memref<128xi32, #tpu.memory_space<vmem>>) semaphore(%dma_start3A_40 : memref<!tpu.dma_semaphore, #tpu.memory_space<semaphore_mem>>)
    %scan3A_41 = arith.constant 0 : i32
    %scan3A_42 = arith.constant 0 : i32
    %scan3A_43 = arith.constant 32 : i32
    %scan3A_44 = arith.addi %scan3A_42, %scan3A_43 : i32
    %scan3A_45 = arith.constant 1 : i32
    scf.for %scan3A_47 = %scan3A_42 to %scan3A_44 step %scan3A_45  : i32 {
      %mul3A_48 = arith.constant 2 : i32
      %mul3A_49 = arith.muli %scan3A_47, %mul3A_48 : i32
      %add3A_50 = arith.constant 0 : i32
      %add3A_51 = arith.addi %mul3A_49, %add3A_50 : i32
      %dma_wait3A = arith.constant 0 : i32
      %dma_wait3A_52 = arith.constant 0 : i32
      %dma_wait3A_53 = arith.constant 0 : i32
      %dma_wait3A_54 = arith.constant 0 : i32
      %dma_wait3A_55 = arith.constant 0 : i32
      %dma_wait3A_56 = tpu.memref_slice %arg10[%dma_wait3A_52, %dma_wait3A_54, %dma_wait3A_55] : memref<2x128x128xf32, #tpu.memory_space<vmem>> -> memref<1x128x128xf32, #tpu.memory_space<vmem>>
      %dma_wait3A_57 = tpu.memref_squeeze %dma_wait3A_56 : memref<1x128x128xf32, #tpu.memory_space<vmem>> -> memref<128x128xf32, #tpu.memory_space<vmem>>
      %dma_wait3A_58 = arith.constant 0 : i32
      %dma_wait3A_59 = tpu.memref_slice %arg9[%dma_wait3A, %dma_wait3A_58] : memref<64x128xi32, #tpu.memory_space<vmem>> -> memref<1x128xi32, #tpu.memory_space<vmem>>
      %dma_wait3A_60 = tpu.memref_squeeze %dma_wait3A_59 : memref<1x128xi32, #tpu.memory_space<vmem>> -> memref<128xi32, #tpu.memory_space<vmem>>
      %dma_wait3A_61 = arith.constant 0 : i32
      %dma_wait3A_62 = arith.constant 0 : i32
      %dma_wait3A_63 = tpu.memref_slice %arg8[%dma_wait3A_61, %dma_wait3A_62] : memref<66x128xf32, #tpu.memory_space<vmem_shared>> -> memref<66x128xf32, #tpu.memory_space<vmem_shared>>
      %dma_wait3A_64 = tpu.memref_slice %arg11[%dma_wait3A_53] : memref<2x!tpu.dma_semaphore, #tpu.memory_space<semaphore_mem>> -> memref<1x!tpu.dma_semaphore, #tpu.memory_space<semaphore_mem>>
      %dma_wait3A_65 = tpu.memref_squeeze %dma_wait3A_64 : memref<1x!tpu.dma_semaphore, #tpu.memory_space<semaphore_mem>> -> memref<!tpu.dma_semaphore, #tpu.memory_space<semaphore_mem>>
      tpu.wait_indirect_dma semaphore(%dma_wait3A_65 : memref<!tpu.dma_semaphore, #tpu.memory_space<semaphore_mem>>) src(%dma_wait3A_63 : memref<66x128xf32, #tpu.memory_space<vmem_shared>>) dst(%dma_wait3A_57 : memref<128x128xf32, #tpu.memory_space<vmem>>)
      %mul3A_66 = arith.constant 128 : i32
      %mul3A_67 = arith.muli %add3A_51, %mul3A_66 : i32
      %add3A_68 = arith.addi %mul3A_4, %mul3A_67 : i32
      %dma_start3A_69 = arith.constant 0 : i32
      %dma_start3A_70 = arith.constant 0 : i32
      %dma_start3A_71 = arith.constant 0 : i32
      %dma_start3A_72 = arith.constant 0 : i32
      %dma_start3A_73 = tpu.memref_slice %arg10[%dma_start3A_69, %dma_start3A_71, %dma_start3A_72] : memref<2x128x128xf32, #tpu.memory_space<vmem>> -> memref<1x128x128xf32, #tpu.memory_space<vmem>>
      %dma_start3A_74 = tpu.memref_squeeze %dma_start3A_73 : memref<1x128x128xf32, #tpu.memory_space<vmem>> -> memref<128x128xf32, #tpu.memory_space<vmem>>
      %dma_start3A_75 = arith.constant 0 : i32
      %dma_start3A_76 = tpu.memref_slice %arg5[%add3A_68, %dma_start3A_75] : memref<262144x128xf32, #tpu.memory_space<hbm>> -> memref<128x128xf32, #tpu.memory_space<hbm>>
      %dma_start3A_77 = tpu.memref_slice %arg12[%dma_start3A_70] : memref<2x!tpu.dma_semaphore, #tpu.memory_space<semaphore_mem>> -> memref<1x!tpu.dma_semaphore, #tpu.memory_space<semaphore_mem>>
      %dma_start3A_78 = tpu.memref_squeeze %dma_start3A_77 : memref<1x!tpu.dma_semaphore, #tpu.memory_space<semaphore_mem>> -> memref<!tpu.dma_semaphore, #tpu.memory_space<semaphore_mem>>
      %dma_start3A_79 = arith.constant 0 : i32
      %dma_start3A_80 = tpu.memref_slice %arg5[%add3A_68, %dma_start3A_79] : memref<262144x128xf32, #tpu.memory_space<hbm>> -> memref<128x128xf32, #tpu.memory_space<hbm>>
      %dma_start3A_81 = arith.constant 0 : i32
      %dma_start3A_82 = arith.constant 0 : i32
      %dma_start3A_83 = tpu.memref_slice %arg10[%dma_start3A_69, %dma_start3A_81, %dma_start3A_82] : memref<2x128x128xf32, #tpu.memory_space<vmem>> -> memref<1x128x128xf32, #tpu.memory_space<vmem>>
      %dma_start3A_84 = tpu.memref_squeeze %dma_start3A_83 : memref<1x128x128xf32, #tpu.memory_space<vmem>> -> memref<128x128xf32, #tpu.memory_space<vmem>>
      tpu.enqueue_dma source(%dma_start3A_84 : memref<128x128xf32, #tpu.memory_space<vmem>>) target(%dma_start3A_80 : memref<128x128xf32, #tpu.memory_space<hbm>>) target_semaphore(%dma_start3A_78 : memref<!tpu.dma_semaphore, #tpu.memory_space<semaphore_mem>>)
      %dma_wait3A_85 = arith.constant 0 : i32
      %dma_wait3A_86 = arith.constant 0 : i32
      %dma_wait3A_87 = arith.constant 0 : i32
      %dma_wait3A_88 = arith.constant 0 : i32
      %dma_wait3A_89 = tpu.memref_slice %arg10[%dma_wait3A_85, %dma_wait3A_87, %dma_wait3A_88] : memref<2x128x128xf32, #tpu.memory_space<vmem>> -> memref<1x128x128xf32, #tpu.memory_space<vmem>>
      %dma_wait3A_90 = tpu.memref_squeeze %dma_wait3A_89 : memref<1x128x128xf32, #tpu.memory_space<vmem>> -> memref<128x128xf32, #tpu.memory_space<vmem>>
      %dma_wait3A_91 = arith.constant 0 : i32
      %dma_wait3A_92 = tpu.memref_slice %arg5[%add3A_68, %dma_wait3A_91] : memref<262144x128xf32, #tpu.memory_space<hbm>> -> memref<128x128xf32, #tpu.memory_space<hbm>>
      %dma_wait3A_93 = tpu.memref_slice %arg12[%dma_wait3A_86] : memref<2x!tpu.dma_semaphore, #tpu.memory_space<semaphore_mem>> -> memref<1x!tpu.dma_semaphore, #tpu.memory_space<semaphore_mem>>
      %dma_wait3A_94 = tpu.memref_squeeze %dma_wait3A_93 : memref<1x!tpu.dma_semaphore, #tpu.memory_space<semaphore_mem>> -> memref<!tpu.dma_semaphore, #tpu.memory_space<semaphore_mem>>
      %dma_wait3A_95 = arith.constant 0 : i32
      %dma_wait3A_96 = tpu.memref_slice %arg5[%add3A_68, %dma_wait3A_95] : memref<262144x128xf32, #tpu.memory_space<hbm>> -> memref<128x128xf32, #tpu.memory_space<hbm>>
      %dma_wait3A_97 = arith.constant 0 : i32
      %dma_wait3A_98 = arith.constant 0 : i32
      %dma_wait3A_99 = tpu.memref_slice %arg10[%dma_wait3A_85, %dma_wait3A_97, %dma_wait3A_98] : memref<2x128x128xf32, #tpu.memory_space<vmem>> -> memref<1x128x128xf32, #tpu.memory_space<vmem>>
      %dma_wait3A_100 = tpu.memref_squeeze %dma_wait3A_99 : memref<1x128x128xf32, #tpu.memory_space<vmem>> -> memref<128x128xf32, #tpu.memory_space<vmem>>
      tpu.wait_dma2 semaphore(%dma_wait3A_94 : memref<!tpu.dma_semaphore, #tpu.memory_space<semaphore_mem>>) src(%dma_wait3A_100 : memref<128x128xf32, #tpu.memory_space<vmem>>) dst(%dma_wait3A_96 : memref<128x128xf32, #tpu.memory_space<hbm>>)
      %add3A_101 = arith.constant 2 : i32
      %add3A_102 = arith.addi %add3A_51, %add3A_101 : i32
      %lt3A = arith.constant 64 : i32
      %lt3A_103 = arith.cmpi slt, %add3A_102, %lt3A : i32
      %convert_element_type3A_104 = arith.extui %lt3A_103 : i1 to i32
      %cond3A_105 = arith.constant 0 : i32
      %cond3A_106 = arith.cmpi ne, %convert_element_type3A_104, %cond3A_105 : i32
      scf.if %cond3A_106 {
        %add3A_168 = arith.constant 2 : i32
        %add3A_169 = arith.addi %add3A_51, %add3A_168 : i32
        %dma_start3A_170 = arith.constant 0 : i32
        %dma_start3A_171 = arith.constant 0 : i32
        %dma_start3A_172 = arith.constant 0 : i32
        %dma_start3A_173 = arith.constant 0 : i32
        %dma_start3A_174 = tpu.memref_slice %arg10[%dma_start3A_170, %dma_start3A_172, %dma_start3A_173] : memref<2x128x128xf32, #tpu.memory_space<vmem>> -> memref<1x128x128xf32, #tpu.memory_space<vmem>>
        %dma_start3A_175 = tpu.memref_squeeze %dma_start3A_174 : memref<1x128x128xf32, #tpu.memory_space<vmem>> -> memref<128x128xf32, #tpu.memory_space<vmem>>
        %dma_start3A_176 = arith.constant 0 : i32
        %dma_start3A_177 = tpu.memref_slice %arg9[%add3A_169, %dma_start3A_176] : memref<64x128xi32, #tpu.memory_space<vmem>> -> memref<1x128xi32, #tpu.memory_space<vmem>>
        %dma_start3A_178 = tpu.memref_squeeze %dma_start3A_177 : memref<1x128xi32, #tpu.memory_space<vmem>> -> memref<128xi32, #tpu.memory_space<vmem>>
        %dma_start3A_179 = arith.constant 0 : i32
        %dma_start3A_180 = arith.constant 0 : i32
        %dma_start3A_181 = tpu.memref_slice %arg8[%dma_start3A_179, %dma_start3A_180] : memref<66x128xf32, #tpu.memory_space<vmem_shared>> -> memref<66x128xf32, #tpu.memory_space<vmem_shared>>
        %dma_start3A_182 = tpu.memref_slice %arg11[%dma_start3A_171] : memref<2x!tpu.dma_semaphore, #tpu.memory_space<semaphore_mem>> -> memref<1x!tpu.dma_semaphore, #tpu.memory_space<semaphore_mem>>
        %dma_start3A_183 = tpu.memref_squeeze %dma_start3A_182 : memref<1x!tpu.dma_semaphore, #tpu.memory_space<semaphore_mem>> -> memref<!tpu.dma_semaphore, #tpu.memory_space<semaphore_mem>>
        tpu.enqueue_indirect_dma source(%dma_start3A_181 : memref<66x128xf32, #tpu.memory_space<vmem_shared>>) target(%dma_start3A_175 : memref<128x128xf32, #tpu.memory_space<vmem>>) offsets(%dma_start3A_178 : memref<128xi32, #tpu.memory_space<vmem>>) semaphore(%dma_start3A_183 : memref<!tpu.dma_semaphore, #tpu.memory_space<semaphore_mem>>)
      } else {
      }
      %mul3A_107 = arith.constant 2 : i32
      %mul3A_108 = arith.muli %scan3A_47, %mul3A_107 : i32
      %add3A_109 = arith.constant 1 : i32
      %add3A_110 = arith.addi %mul3A_108, %add3A_109 : i32
      %dma_wait3A_111 = arith.constant 0 : i32
      %dma_wait3A_112 = arith.constant 1 : i32
      %dma_wait3A_113 = arith.constant 1 : i32
      %dma_wait3A_114 = arith.constant 0 : i32
      %dma_wait3A_115 = arith.constant 0 : i32
      %dma_wait3A_116 = tpu.memref_slice %arg10[%dma_wait3A_112, %dma_wait3A_114, %dma_wait3A_115] : memref<2x128x128xf32, #tpu.memory_space<vmem>> -> memref<1x128x128xf32, #tpu.memory_space<vmem>>
      %dma_wait3A_117 = tpu.memref_squeeze %dma_wait3A_116 : memref<1x128x128xf32, #tpu.memory_space<vmem>> -> memref<128x128xf32, #tpu.memory_space<vmem>>
      %dma_wait3A_118 = arith.constant 0 : i32
      %dma_wait3A_119 = tpu.memref_slice %arg9[%dma_wait3A_111, %dma_wait3A_118] : memref<64x128xi32, #tpu.memory_space<vmem>> -> memref<1x128xi32, #tpu.memory_space<vmem>>
      %dma_wait3A_120 = tpu.memref_squeeze %dma_wait3A_119 : memref<1x128xi32, #tpu.memory_space<vmem>> -> memref<128xi32, #tpu.memory_space<vmem>>
      %dma_wait3A_121 = arith.constant 0 : i32
      %dma_wait3A_122 = arith.constant 0 : i32
      %dma_wait3A_123 = tpu.memref_slice %arg8[%dma_wait3A_121, %dma_wait3A_122] : memref<66x128xf32, #tpu.memory_space<vmem_shared>> -> memref<66x128xf32, #tpu.memory_space<vmem_shared>>
      %dma_wait3A_124 = tpu.memref_slice %arg11[%dma_wait3A_113] : memref<2x!tpu.dma_semaphore, #tpu.memory_space<semaphore_mem>> -> memref<1x!tpu.dma_semaphore, #tpu.memory_space<semaphore_mem>>
      %dma_wait3A_125 = tpu.memref_squeeze %dma_wait3A_124 : memref<1x!tpu.dma_semaphore, #tpu.memory_space<semaphore_mem>> -> memref<!tpu.dma_semaphore, #tpu.memory_space<semaphore_mem>>
      tpu.wait_indirect_dma semaphore(%dma_wait3A_125 : memref<!tpu.dma_semaphore, #tpu.memory_space<semaphore_mem>>) src(%dma_wait3A_123 : memref<66x128xf32, #tpu.memory_space<vmem_shared>>) dst(%dma_wait3A_117 : memref<128x128xf32, #tpu.memory_space<vmem>>)
      %mul3A_126 = arith.constant 128 : i32
      %mul3A_127 = arith.muli %add3A_110, %mul3A_126 : i32
      %add3A_128 = arith.addi %mul3A_4, %mul3A_127 : i32
      %dma_start3A_129 = arith.constant 1 : i32
      %dma_start3A_130 = arith.constant 1 : i32
      %dma_start3A_131 = arith.constant 0 : i32
      %dma_start3A_132 = arith.constant 0 : i32
      %dma_start3A_133 = tpu.memref_slice %arg10[%dma_start3A_129, %dma_start3A_131, %dma_start3A_132] : memref<2x128x128xf32, #tpu.memory_space<vmem>> -> memref<1x128x128xf32, #tpu.memory_space<vmem>>
      %dma_start3A_134 = tpu.memref_squeeze %dma_start3A_133 : memref<1x128x128xf32, #tpu.memory_space<vmem>> -> memref<128x128xf32, #tpu.memory_space<vmem>>
      %dma_start3A_135 = arith.constant 0 : i32
      %dma_start3A_136 = tpu.memref_slice %arg5[%add3A_128, %dma_start3A_135] : memref<262144x128xf32, #tpu.memory_space<hbm>> -> memref<128x128xf32, #tpu.memory_space<hbm>>
      %dma_start3A_137 = tpu.memref_slice %arg12[%dma_start3A_130] : memref<2x!tpu.dma_semaphore, #tpu.memory_space<semaphore_mem>> -> memref<1x!tpu.dma_semaphore, #tpu.memory_space<semaphore_mem>>
      %dma_start3A_138 = tpu.memref_squeeze %dma_start3A_137 : memref<1x!tpu.dma_semaphore, #tpu.memory_space<semaphore_mem>> -> memref<!tpu.dma_semaphore, #tpu.memory_space<semaphore_mem>>
      %dma_start3A_139 = arith.constant 0 : i32
      %dma_start3A_140 = tpu.memref_slice %arg5[%add3A_128, %dma_start3A_139] : memref<262144x128xf32, #tpu.memory_space<hbm>> -> memref<128x128xf32, #tpu.memory_space<hbm>>
      %dma_start3A_141 = arith.constant 0 : i32
      %dma_start3A_142 = arith.constant 0 : i32
      %dma_start3A_143 = tpu.memref_slice %arg10[%dma_start3A_129, %dma_start3A_141, %dma_start3A_142] : memref<2x128x128xf32, #tpu.memory_space<vmem>> -> memref<1x128x128xf32, #tpu.memory_space<vmem>>
      %dma_start3A_144 = tpu.memref_squeeze %dma_start3A_143 : memref<1x128x128xf32, #tpu.memory_space<vmem>> -> memref<128x128xf32, #tpu.memory_space<vmem>>
      tpu.enqueue_dma source(%dma_start3A_144 : memref<128x128xf32, #tpu.memory_space<vmem>>) target(%dma_start3A_140 : memref<128x128xf32, #tpu.memory_space<hbm>>) target_semaphore(%dma_start3A_138 : memref<!tpu.dma_semaphore, #tpu.memory_space<semaphore_mem>>)
      %dma_wait3A_145 = arith.constant 1 : i32
      %dma_wait3A_146 = arith.constant 1 : i32
      %dma_wait3A_147 = arith.constant 0 : i32
      %dma_wait3A_148 = arith.constant 0 : i32
      %dma_wait3A_149 = tpu.memref_slice %arg10[%dma_wait3A_145, %dma_wait3A_147, %dma_wait3A_148] : memref<2x128x128xf32, #tpu.memory_space<vmem>> -> memref<1x128x128xf32, #tpu.memory_space<vmem>>
      %dma_wait3A_150 = tpu.memref_squeeze %dma_wait3A_149 : memref<1x128x128xf32, #tpu.memory_space<vmem>> -> memref<128x128xf32, #tpu.memory_space<vmem>>
      %dma_wait3A_151 = arith.constant 0 : i32
      %dma_wait3A_152 = tpu.memref_slice %arg5[%add3A_128, %dma_wait3A_151] : memref<262144x128xf32, #tpu.memory_space<hbm>> -> memref<128x128xf32, #tpu.memory_space<hbm>>
      %dma_wait3A_153 = tpu.memref_slice %arg12[%dma_wait3A_146] : memref<2x!tpu.dma_semaphore, #tpu.memory_space<semaphore_mem>> -> memref<1x!tpu.dma_semaphore, #tpu.memory_space<semaphore_mem>>
      %dma_wait3A_154 = tpu.memref_squeeze %dma_wait3A_153 : memref<1x!tpu.dma_semaphore, #tpu.memory_space<semaphore_mem>> -> memref<!tpu.dma_semaphore, #tpu.memory_space<semaphore_mem>>
      %dma_wait3A_155 = arith.constant 0 : i32
      %dma_wait3A_156 = tpu.memref_slice %arg5[%add3A_128, %dma_wait3A_155] : memref<262144x128xf32, #tpu.memory_space<hbm>> -> memref<128x128xf32, #tpu.memory_space<hbm>>
      %dma_wait3A_157 = arith.constant 0 : i32
      %dma_wait3A_158 = arith.constant 0 : i32
      %dma_wait3A_159 = tpu.memref_slice %arg10[%dma_wait3A_145, %dma_wait3A_157, %dma_wait3A_158] : memref<2x128x128xf32, #tpu.memory_space<vmem>> -> memref<1x128x128xf32, #tpu.memory_space<vmem>>
      %dma_wait3A_160 = tpu.memref_squeeze %dma_wait3A_159 : memref<1x128x128xf32, #tpu.memory_space<vmem>> -> memref<128x128xf32, #tpu.memory_space<vmem>>
      tpu.wait_dma2 semaphore(%dma_wait3A_154 : memref<!tpu.dma_semaphore, #tpu.memory_space<semaphore_mem>>) src(%dma_wait3A_160 : memref<128x128xf32, #tpu.memory_space<vmem>>) dst(%dma_wait3A_156 : memref<128x128xf32, #tpu.memory_space<hbm>>)
      %add3A_161 = arith.constant 2 : i32
      %add3A_162 = arith.addi %add3A_110, %add3A_161 : i32
      %lt3A_163 = arith.constant 64 : i32
      %lt3A_164 = arith.cmpi slt, %add3A_162, %lt3A_163 : i32
      %convert_element_type3A_165 = arith.extui %lt3A_164 : i1 to i32
      %cond3A_166 = arith.constant 0 : i32
      %cond3A_167 = arith.cmpi ne, %convert_element_type3A_165, %cond3A_166 : i32
      scf.if %cond3A_167 {
        %add3A_168 = arith.constant 2 : i32
        %add3A_169 = arith.addi %add3A_110, %add3A_168 : i32
        %dma_start3A_170 = arith.constant 1 : i32
        %dma_start3A_171 = arith.constant 1 : i32
        %dma_start3A_172 = arith.constant 0 : i32
        %dma_start3A_173 = arith.constant 0 : i32
        %dma_start3A_174 = tpu.memref_slice %arg10[%dma_start3A_170, %dma_start3A_172, %dma_start3A_173] : memref<2x128x128xf32, #tpu.memory_space<vmem>> -> memref<1x128x128xf32, #tpu.memory_space<vmem>>
        %dma_start3A_175 = tpu.memref_squeeze %dma_start3A_174 : memref<1x128x128xf32, #tpu.memory_space<vmem>> -> memref<128x128xf32, #tpu.memory_space<vmem>>
        %dma_start3A_176 = arith.constant 0 : i32
        %dma_start3A_177 = tpu.memref_slice %arg9[%add3A_169, %dma_start3A_176] : memref<64x128xi32, #tpu.memory_space<vmem>> -> memref<1x128xi32, #tpu.memory_space<vmem>>
        %dma_start3A_178 = tpu.memref_squeeze %dma_start3A_177 : memref<1x128xi32, #tpu.memory_space<vmem>> -> memref<128xi32, #tpu.memory_space<vmem>>
        %dma_start3A_179 = arith.constant 0 : i32
        %dma_start3A_180 = arith.constant 0 : i32
        %dma_start3A_181 = tpu.memref_slice %arg8[%dma_start3A_179, %dma_start3A_180] : memref<66x128xf32, #tpu.memory_space<vmem_shared>> -> memref<66x128xf32, #tpu.memory_space<vmem_shared>>
        %dma_start3A_182 = tpu.memref_slice %arg11[%dma_start3A_171] : memref<2x!tpu.dma_semaphore, #tpu.memory_space<semaphore_mem>> -> memref<1x!tpu.dma_semaphore, #tpu.memory_space<semaphore_mem>>
        %dma_start3A_183 = tpu.memref_squeeze %dma_start3A_182 : memref<1x!tpu.dma_semaphore, #tpu.memory_space<semaphore_mem>> -> memref<!tpu.dma_semaphore, #tpu.memory_space<semaphore_mem>>
        tpu.enqueue_indirect_dma source(%dma_start3A_181 : memref<66x128xf32, #tpu.memory_space<vmem_shared>>) target(%dma_start3A_175 : memref<128x128xf32, #tpu.memory_space<vmem>>) offsets(%dma_start3A_178 : memref<128xi32, #tpu.memory_space<vmem>>) semaphore(%dma_start3A_183 : memref<!tpu.dma_semaphore, #tpu.memory_space<semaphore_mem>>)
      } else {
      }
    }
    %scan3A_46 = arith.constant 32 : i32
    return
  }
}

</mosaic_0001>

<sc_bundles>
// kernel: kernel.3.cloned.1.call-start
scs
__scs_entry_jumppad:
0x0: {  	(pc) =	sbr.rel $0x88, $3  }
0x1: {  	(tag) =	ssettag $0x0;
	lr =	simm.s32 $0x1  }
0x2: {  	[smem:$0x3F9E] =	sst lr;
	_ =	strace $0xD0000000  }
0x3: {  	_ = 	snop  }
0x4: {  	_ = 	snop  }
0x5: {  	_ = 	snop  }
0x6: {  	_ = 	snop  }
0x7: {  	_ = 	snop  }
__scs_overlays_trampoline_lowered:
0x8: {  	[smem:$0x3FAD] =	sst s0  }
0x9: {  	[smem:$0x3FAE] =	sst s1  }
0xa: {  	[smem:$0x3FAF] =	sst s2  }
0xb: {  	[smem:$0x3FB0] =	sst s3  }
0xc: {  	[smem:$0x3FB1] =	sst s4  }
0xd: {  	[smem:$0x3FB2] =	sst s5  }
0xe: {  	[smem:$0x3FB3] =	sst s6  }
0xf: {  	[smem:$0x3FB4] =	sst s7  }
0x10: {  	[smem:$0x3FB5] =	sst s8  }
0x11: {  	[smem:$0x3FB6] =	sst s9;
	s0 =	simm.s32 @!p0 $0x0  }
0x12: {  	s1 =	sld [smem:$0x3F9C];
	s0 =	simm.s32 @p0 $0x1  }
0x13: {  	[smem:$0x3FB7] =	sst s0;
	s0 =	simm.s32 @!p1 $0x0  }
0x14: {  	s2 =	sld [smem:$0x3F9B];
	s0 =	simm.s32 @p1 $0x1  }
0x15: {  	[smem:$0x3FB8] =	sst s0;
	s0 =	simm.s32 @!p2 $0x0  }
0x16: {  	s3 =	sld [smem:$0x3FDB];
	s0 =	simm.s32 @p2 $0x1  }
0x17: {  	s4 =	simm.s32 $0x1BF5;
	[smem:$0x3FBA] =	sst s0  }
0x18: {  	s0 =	sld [smem:$0x3F9D];
	_ =	swait.ge [sflag:s4], $0x0  }
0x19: {  	s7 =	sld [smem:$0x3F9E]  }
0x1a: {  	s8 =	sadd.s32 $0xFFFFE003, lr  }
0x1b: {  	s9 =	sadd.s32 $0xFFFFFEF7, lr;
	s5 =	simm.s32 $0xFFFFFFFF;
	p2 =	slt.u32 s8, $0xFFFFF086  }
0x1c: {  	p1 =	slt.u32 s9, $0xF7A;
	s5 =	simm.s32 @!p2 $0x0  }
0x1d: {  	s5 =	simm.s32 @p1 $0x1;
	p0 =	seq.s32 s7, s2  }
0x1e: {  	s7 =	smul.u32 @!p0 $0xF7A, s2;
	p2 =	seq.s32 @!p0 s5, $0x0  }
0x1f: {  	s9 =	smul.u32 $0xF7A, s1;
	s8 =	simm.s32 @!p0 $0x1BF5;
	p2 =	por !p2, p0  }
0x20: {  	[sflag:s8] =	ssyncset.s32 @!p0 $0xFFFFF086;
	s6 =	sadd.s32 @!p0 s3, s7;
	s7 =	simm.s32 @!p0 $0x108  }
0x21: {  	s3 =	sadd.s32 s3, s9;
	s6 =	sadd.s32 @!p0 $0x88, s6;
	s7 =	simm.s32 @p2 $0x1082  }
0x22: {  	[simem:s7], [sflag:s8] =	dma.local @!p0 [hbm:s6], $0xF7A  }
0x23: {  	s9 =	sor.u32 $0xD0000000, s2;
	s6 =	simm.s32 $0x108;
	_ =	swait.ge @!p0 [sflag:s8], $0x0  }
0x24: {  	s3 =	sadd.s32 $0x88, s3;
	s6 =	simm.s32 @!p1 $0x1082;
	[sflag:s4] =	ssyncset.s32 $0xFFFFF086  }
0x25: {  	[simem:s6], [sflag:s4] =	dma.local [hbm:s3], $0xF7A  }
0x26: {  	[smem:$0x3F9E] =	sst s1;
	(tag) =	ssettag s2;
	_ =	strace s9  }
0x27: {  	s1 =	sld [smem:$0x3FAE]  }
0x28: {  	s2 =	sld [smem:$0x3FAF]  }
0x29: {  	s4 =	sld [smem:$0x3FB1]  }
0x2a: {  	p0 =	seq.s32 s5, $0x0;
	s5 =	sld [smem:$0x3FB2]  }
0x2b: {  	s6 =	sld [smem:$0x3FB3]  }
0x2c: {  	s7 =	sld [smem:$0x3FB4]  }
0x2d: {  	s3 =	simm.s32 $0x108;
	s8 =	sld [smem:$0x3FB5]  }
0x2e: {  	s3 =	simm.s32 @!p0 $0x1082;
	s9 =	sld [smem:$0x3FB6]  }
0x2f: {  	lr =	sadd.s32 s0, s3;
	s0 =	sld [smem:$0x3FAD]  }
0x30: {  	s3 =	sld [smem:$0x3FB0]  }
0x31: {  	[smem:$0x3FB9] =	sst s10  }
0x32: {  	s10 =	sld [smem:$0x3FB7];
	_ =	sdelay $0x3  }
0x33: {  	p0 =	seq.s32 s10, $0x1;
	s10 =	sld [smem:$0x3FB9];
	_ =	sdelay $0x3  }
0x34: {  	[smem:$0x3FB9] =	sst s10  }
0x35: {  	s10 =	sld [smem:$0x3FB8];
	_ =	sdelay $0x3  }
0x36: {  	p1 =	seq.s32 s10, $0x1;
	s10 =	sld [smem:$0x3FB9];
	_ =	sdelay $0x3  }
0x37: {  	[smem:$0x3FB9] =	sst s10  }
0x38: {  	s10 =	sld [smem:$0x3FBA]  }
0x39: {  	_ = 	snop;
	(pc) =	sbr.ind lr, $3  }
0x3a: {  	_ = 	snop  }
0x3b: {  	_ = 	snop  }
0x3c: {  	p2 =	seq.s32 s10, $0x1;
	s10 =	sld [smem:$0x3FB9]  }
0x3d: {  	_ =	shalt  }
0x3e: {  	_ =	shalt  }
0x3f: {  	_ =	shalt  }
0x40: {  	_ =	shalt  }
0x41: {  	_ =	shalt  }
0x42: {  	_ =	shalt  }
0x43: {  	_ =	shalt  }
0x44: {  	_ =	shalt  }
0x45: {  	_ =	shalt  }
0x46: {  	_ =	shalt  }
0x47: {  	_ =	shalt  }
0x48: {  	_ =	shalt  }
0x49: {  	_ =	shalt  }
0x4a: {  	_ =	shalt  }
0x4b: {  	_ =	shalt  }
0x4c: {  	_ =	shalt  }
0x4d: {  	_ =	shalt  }
0x4e: {  	_ =	shalt  }
0x4f: {  	_ =	shalt  }
0x50: {  	_ =	shalt  }
0x51: {  	_ =	shalt  }
0x52: {  	_ =	shalt  }
0x53: {  	_ =	shalt  }
0x54: {  	_ =	shalt  }
0x55: {  	_ =	shalt  }
0x56: {  	_ =	shalt  }
0x57: {  	_ =	shalt  }
0x58: {  	_ =	shalt  }
0x59: {  	_ =	shalt  }
0x5a: {  	_ =	shalt  }
0x5b: {  	_ =	shalt  }
0x5c: {  	_ =	shalt  }
0x5d: {  	_ =	shalt  }
0x5e: {  	_ =	shalt  }
0x5f: {  	_ =	shalt  }
0x60: {  	_ =	shalt  }
0x61: {  	_ =	shalt  }
0x62: {  	_ =	shalt  }
0x63: {  	_ =	shalt  }
0x64: {  	_ =	shalt  }
0x65: {  	_ =	shalt  }
0x66: {  	_ =	shalt  }
0x67: {  	_ =	shalt  }
0x68: {  	_ =	shalt  }
0x69: {  	_ =	shalt  }
0x6a: {  	_ =	shalt  }
0x6b: {  	_ =	shalt  }
0x6c: {  	_ =	shalt  }
0x6d: {  	_ =	shalt  }
0x6e: {  	_ =	shalt  }
0x6f: {  	_ =	shalt  }
0x70: {  	_ =	shalt  }
0x71: {  	_ =	shalt  }
0x72: {  	_ =	shalt  }
0x73: {  	_ =	shalt  }
0x74: {  	_ =	shalt  }
0x75: {  	_ =	shalt  }
0x76: {  	_ =	shalt  }
0x77: {  	_ =	shalt  }
0x78: {  	_ =	shalt  }
0x79: {  	_ =	shalt  }
0x7a: {  	_ =	shalt  }
0x7b: {  	_ =	shalt  }
0x7c: {  	_ =	shalt  }
0x7d: {  	_ =	shalt  }
0x7e: {  	_ =	shalt  }
0x7f: {  	_ =	shalt  }
0x80: {  	_ =	shalt  }
0x81: {  	_ =	shalt  }
0x82: {  	_ =	shalt  }
0x83: {  	_ =	shalt  }
0x84: {  	_ =	shalt  }
0x85: {  	_ =	shalt  }
0x86: {  	_ =	shalt  }
0x87: {  	_ =	shalt  }
.Lfunc_end0:
.L_simem_size_0:
called_computation_lowered:
.L_overlay_start_0:
0x88: {  	s2 =	sld [smem:$0x3FD9]  }
0x89: {  	s3 =	sld [smem:$0x3FFE];
	_ =	sdelay $0x1  }
0x8a: {  	s1 =	srdreg.scid  }
0x8b: {  	s0 =	sand.u32 $0x1, s1  }
0x8c: {  	s17 =	sshll.u32 s0, $0xA;
	s2 =	sadd.s32 s3, s2  }
0x8d: {  	s2 =	sadd.s32 s2, s17  }
0x8e: {  	[smem:$0x3FC5] =	sst s2  }
0x8f: {  	_ = 	snop  }
0x90: {  	s2 =	sld [smem:$0x3FC9]  }
0x91: {  	s18 =	sld [smem:$0x3FC7]  }
0x92: {  	s4 =	sld [smem:$0x3FD0];
	(tm) =	ssettm $0x1  }
0x93: {  	s5 =	sld [smem:$0x3FFB];
	_ =	sdelay $0x3  }
0x94: {  	_ =	strace s5  }
0x95: {  	s5 =	sld [smem:$0x3FFC];
	_ =	sdelay $0x3  }
0x96: {  	_ =	strace s5  }
0x97: {  	s5 =	sld [smem:$0x3FFD];
	_ =	sdelay $0x3  }
0x98: {  	_ =	strace s5  }
0x99: {  	_ =	strace $0x8FFFFFFF  }
0x9a: {  	s19 =	sld [smem:$0x3FDB];
	_ =	sdelay $0x1  }
0x9b: {  	s6 =	simm.s32 $_scs_section_size  }
0x9c: {  	s7 =	simm.s32 $_size__tile_overlayer_lowered;
	s8 =	simm.s32 $_tile_overlayer_lowered  }
0x9d: {  	s22 =	simm.s32 $0x1BFF;
	s21 =	sshll.u32 s8, $0x1;
	s5 =	sadd.s32 s6, s19  }
0x9e: {  	s9 =	simm.s32 $0x0;
	s20 =	sshll.u32 s7, $0x1;
	s7 =	sadd.s32 s21, s5  }
0x9f: {  	[timem:s9], [sflag:s22] =	dma.local [hbm:s7], s20  }
0xa0: {  	_ =	swait.ge [sflag:s22], s20  }
0xa1: {  	s6 =	ssub.s32 $0x0, s20;
	[sflag:s22] =	ssyncset.done $0x0  }
0xa2: {  	[sflag:s22] =	ssyncadd.s32 s6;
	_ =	sdelay $0x1  }
0xa3: {  	s23 =	simm.s32 $0x1B8B  }
0xa4: {  	_ =	swait.ge [sflag:s23], $0x1  }
0xa5: {  	[sflag:s23] =	ssyncset.done $0x0  }
0xa6: {  	s25 =	simm.s32 $0x1B8E;
	s24 =	sld [smem:$0x3FFE];
	[sflag:s23] =	ssyncadd.s32 $0xFFFFFFFF  }
0xa7: {  	s26 =	simm.s32 $execute0_lowered;
	[smem:$0x3FD2] =	sst s25  }
0xa8: {  	s7 =	sshll.u32 s26, $0x1;
	_ =	strace $0x80000046;
	[dreg:$0x1] =	wrdreg $0xFFFFFFFF  }
0xa9: {  	s28 =	simm.s32 $_size_execute0_lowered;
	s5 =	sadd.s32 s5, s7;
	[dreg:$0x0] =	wrdreg $0x0  }
0xaa: {  	s7 =	sshll.u32 s28, $0x1;
	[dreg:$0x2] =	wrdreg s5  }
0xab: {  	[dreg:$0x3] =	wrdreg s7  }
0xac: {  	[dreg:$0x4] =	wrdreg $0xC0  }
0xad: {  	_ =	task [dreg:s9], $0x5FFFF  }
0xae: {  	[dreg:$0x1] =	wrdreg $0xFFFFFFFF  }
0xaf: {  	[dreg:$0x0] =	wrdreg $0x60  }
0xb0: {  	[dreg:$0x2] =	wrdreg s2  }
0xb1: {  	[dreg:$0x3] =	wrdreg s24  }
0xb2: {  	[dreg:$0x4] =	wrdreg s18  }
0xb3: {  	[dreg:$0x5] =	wrdreg s4  }
0xb4: {  	[dreg:$0x6] =	wrdreg $0x5000  }
0xb5: {  	[dreg:$0x7] =	wrdreg $0x9  }
0xb6: {  	_ =	task.clear_ibuf [dreg:s9], $0x8FFFF;
	_ =	strace $0x90000046  }
0xb7: {  	s29 =	simm.s32 $0x9;
	_ =	strace $0x80000048  }
0xb8: {  	_ =	swait.ge [sflag:s29], $0x1  }
0xb9: {  	[sflag:s29] =	ssyncadd.s32 $0xFFFFFFFF  }
0xba: {  	_ =	strace $0x90000048  }
0xbb: {  	_ =	sfence  }
0xbc: {  	s30 =	sld [smem:$0x0];
	_ =	sdelay $0x2  }
0xbd: {  	s31 =	sshll.u32 s1, $0xD;
	s1 =	sshrl.u32 s1, $0x2  }
0xbe: {  	s3 =	sand.u32 $0x4000, s31;
	s1 =	sadd.s32 s1, s30  }
0xbf: {  	s0 =	sor.u32 s3, s0;
	s1 =	sshll.u32 s1, $0x11  }
0xc0: {  	s0 =	sor.u32 s1, s0  }
0xc1: {  	s0 =	sadd.s32 $0x8F2B, s0  }
0xc2: {  	[sflag:s0] =	ssyncadd.remote.s32 $0x1  }
0xc3: {  	_ =	sfence.sel $0xFFFF  }
0xc4: {  	[dreg:$0x0] =	wrdreg $0xFFFFFFFF;
	(pc) =	sbr.abs _section_cstart, $3  }
0xc5: {  	[dreg:$0x1] =	wrdreg $0xFFFFFFFF  }
0xc6: {  	_ =	task.clear_ibuf [dreg:s9], $0x2FFFF;
	_ =	strace $0x9FFFFFFF  }
0xc7: {  	(tm) =	ssettm $0x7FFFFFFF  }
tec
execute0_lowered:
.L_overlay_start_1:
0x0: {  	(tag) =	ssettag $0x1  }
0x1: {  	s1 =	rddreg [dreg:$0x0]  }
0x2: {  	s5 =	rddreg [dreg:$0x1]  }
0x3: {  	s2 =	rddreg [dreg:$0x2]  }
0x4: {  	s11 =	rddreg [dreg:$0x3]  }
0x5: {  	s3 =	rddreg [dreg:$0x4]  }
0x6: {  	s0 =	rddreg [dreg:$0x5];
	s4 =	simm.s32 $0x0;
	s6 =	srdreg.scid  }
0x7: {  	s12 =	stileid.u32;
	s15 =	simm.s32 $0x80;
	s16 =	simm.s32 $0x710  }
0x8: {  	s17 =	simm.s32 $0x2710;
	s18 =	simm.s32 $0x790;
	s19 =	simm.s32 $0x6710  }
0x9: {  	s20 =	simm.s32 $0x1;
	s21 =	simm.s32 $0x3;
	s22 =	simm.s32 $0x2  }
0xa: {  	s23 =	simm.s32 $0x4;
	s24 =	simm.s32 $0x0;
	[smem:$0x7FF] =	sst s4  }
0xb: {  	s6 =	sand.u32 $0x1, s6;
	s5 =	sadd.s32 $0x400, s5;
	s13 =	sshll.u32 s12, $0x12  }
0xc: {  	s10 =	sshll.u32 s12, $0x7;
	p0 =	sne.s32 s12, $0x0;
	s12 =	simm.s32 $0x5  }
0xd: {  	_ =	strace $0x80000047;
	s7 =	ssub.s32 $0x2, s6;
	s14 =	sshll.u32 s6, $0x11  }
0xe: {  	s6 =	sshll.u32 s6, $0x6;
	s8 =	sshrl.u32 s7, $0x1;
	s9 =	sor.u32 s14, s13  }
0xf: {  	s31 =	sor.u32 s6, s10;
	s7 =	ssub.s32 s7, s8;
	s9 =	sadd.s32 s11, s9  }
0x10: {  	s8 =	sshrl.u32 s31, $0x2;
	s11 =	sadd.s32 s13, s11;
	s13 =	simm.s32 $0x280  }
0x11: {  	s6 =	smax.u32 s7, $0x1;
	s7 =	sadd.s32 $0x1F000, s9;
	s9 =	sadd.s32 $0x1F800, s9  }
0x12: {  	s10 =	sadd.s32 $0x280, s8;
	s11 =	sadd.s32 s14, s11;
	s14 =	sshrl.u32 @!p0 s3, $0x3  }
.LBB2_1:
0x13: {  	[tilespmem:s4], [sflag:$0x5] =	stream.linear.gather [hbm4b:s1+s4], $0x200, $0x38;
	[tilespmem:$0xA710] =	vst v63  }
0x14: {  	_ =	swait.ge [sflag:s12], $0x200  }
0x15: {  	[sflag:s12] =	ssyncset.done $0x0  }
0x16: {  	[sflag:s12] =	ssyncadd.s32 $0xFFFFFE00  }
0x17: {  	[tilespmem:s13], [sflag:$0x5] =	stream.linear.gather [hbm4b:s5+s4], $0x200, $0x38;
	[tilespmem:$0xA710] =	vst v63  }
0x18: {  	_ =	swait.ge [sflag:s12], $0x200  }
0x19: {  	[sflag:s12] =	ssyncset.done $0x0  }
0x1a: {  	s25 =	simm.s32 @!p0 $0x1C05;
	[sflag:s12] =	ssyncadd.s32 $0xFFFFFE00  }
0x1b: {  	[spmem:s14], [sflag:s25] =	dma.local @!p0 [hbm:s2], $0x420  }
0x1c: {  	s25 =	simm.s32 @!p0 $0x5  }
0x1d: {  	_ =	swait.ge @!p0 [sflag:s25], $0x420  }
0x1e: {  	[sflag:s25] =	ssyncset.done @!p0 $0x0  }
0x1f: {  	[sflag:s25] =	ssyncadd.s32 @!p0 $0xFFFFFBE0  }
0x20: {  	s30 =	sadd.s32 $0x0, s8;
	[bflag:$0x0] =	sbarrier.arrive $0xFFFF  }
0x21: {  	v1 =	vld.msk [tilespmem:s30+$0x0 ss:$0x0], $0xffff  }
0x22: {  	v0 =	vld [tilespmem:$0x0];
	_ =	sdelay $0x4  }
0x23: {  	s31 =	sadd.s32 $0x0, s10;
	v2 =	vsub.s32 v0, v1  }
0x24: {  	v0 =	vld.msk [tilespmem:s31+$0x0 ss:$0x0], $0xffff;
	vm0 =	vgt.s32 v2, $0xFFFFFFE0  }
0x25: {  	v2 =	vnsel vm0, $0xFFFFFFE0, v2  }
0x26: {  	vm0 =	vlt.s32 v2, $0x20  }
0x27: {  	v2 =	vnsel vm0, $0x20, v2  }
0x28: {  	v2 =	vadd.s32 $0x21, v2  }
0x29: {  	v2 =	vmul.u32 v0, v2  }
0x2a: {  	s25 =	simm.s32 $0x810  }
0x2b: {  	[tilespmem:s25+$0xFFFFFF00] =	vst v2  }
0x2c: {  	v2 =	vld [tilespmem:$0x10];
	_ =	sdelay $0x4  }
0x2d: {  	v2 =	vsub.s32 v2, v1  }
0x2e: {  	vm9 =	vgt.s32 v2, $0xFFFFFFE0  }
0x2f: {  	v2 =	vnsel vm9, $0xFFFFFFE0, v2  }
0x30: {  	vm0 =	vlt.s32 v2, $0x20  }
0x31: {  	v2 =	vnsel vm0, $0x20, v2  }
0x32: {  	v2 =	vadd.s32 $0x21, v2  }
0x33: {  	v2 =	vmul.u32 v0, v2;
	_ =	sdelay $0x1  }
0x34: {  	[tilespmem:s25+$0xFFFFFF10] =	vst v2  }
0x35: {  	v2 =	vld [tilespmem:$0x20];
	_ =	sdelay $0x4  }
0x36: {  	v2 =	vsub.s32 v2, v1  }
0x37: {  	vm10 =	vgt.s32 v2, $0xFFFFFFE0  }
0x38: {  	v2 =	vnsel vm10, $0xFFFFFFE0, v2  }
0x39: {  	vm0 =	vlt.s32 v2, $0x20  }
0x3a: {  	v2 =	vnsel vm0, $0x20, v2  }
0x3b: {  	v2 =	vadd.s32 $0x21, v2  }
0x3c: {  	v2 =	vmul.u32 v0, v2;
	_ =	sdelay $0x1  }
0x3d: {  	[tilespmem:s25+$0xFFFFFF20] =	vst v2  }
0x3e: {  	v2 =	vld [tilespmem:$0x30];
	_ =	sdelay $0x4  }
0x3f: {  	v2 =	vsub.s32 v2, v1  }
0x40: {  	vm11 =	vgt.s32 v2, $0xFFFFFFE0  }
0x41: {  	v2 =	vnsel vm11, $0xFFFFFFE0, v2  }
0x42: {  	vm0 =	vlt.s32 v2, $0x20  }
0x43: {  	v2 =	vnsel vm0, $0x20, v2  }
0x44: {  	v2 =	vadd.s32 $0x21, v2  }
0x45: {  	v2 =	vmul.u32 v0, v2;
	_ =	sdelay $0x1  }
0x46: {  	[tilespmem:s25+$0xFFFFFF30] =	vst v2  }
0x47: {  	v2 =	vld [tilespmem:$0x40];
	_ =	sdelay $0x4  }
0x48: {  	v2 =	vsub.s32 v2, v1  }
0x49: {  	vm12 =	vgt.s32 v2, $0xFFFFFFE0  }
0x4a: {  	v2 =	vnsel vm12, $0xFFFFFFE0, v2  }
0x4b: {  	vm0 =	vlt.s32 v2, $0x20  }
0x4c: {  	v2 =	vnsel vm0, $0x20, v2  }
0x4d: {  	v2 =	vadd.s32 $0x21, v2  }
0x4e: {  	v2 =	vmul.u32 v0, v2;
	_ =	sdelay $0x1  }
0x4f: {  	[tilespmem:s25+$0xFFFFFF40] =	vst v2  }
0x50: {  	v2 =	vld [tilespmem:$0x50];
	_ =	sdelay $0x4  }
0x51: {  	v2 =	vsub.s32 v2, v1  }
0x52: {  	vm13 =	vgt.s32 v2, $0xFFFFFFE0  }
0x53: {  	v2 =	vnsel vm13, $0xFFFFFFE0, v2  }
0x54: {  	vm0 =	vlt.s32 v2, $0x20  }
0x55: {  	v2 =	vnsel vm0, $0x20, v2  }
0x56: {  	v2 =	vadd.s32 $0x21, v2  }
0x57: {  	v2 =	vmul.u32 v0, v2;
	_ =	sdelay $0x1  }
0x58: {  	[tilespmem:s25+$0xFFFFFF50] =	vst v2  }
0x59: {  	v2 =	vld [tilespmem:$0x60];
	_ =	sdelay $0x4  }
0x5a: {  	v2 =	vsub.s32 v2, v1  }
0x5b: {  	vm14 =	vgt.s32 v2, $0xFFFFFFE0  }
0x5c: {  	v2 =	vnsel vm14, $0xFFFFFFE0, v2  }
0x5d: {  	vm0 =	vlt.s32 v2, $0x20  }
0x5e: {  	v2 =	vnsel vm0, $0x20, v2  }
0x5f: {  	v2 =	vadd.s32 $0x21, v2  }
0x60: {  	v2 =	vmul.u32 v0, v2;
	_ =	sdelay $0x1  }
0x61: {  	[tilespmem:s25+$0xFFFFFF60] =	vst v2  }
0x62: {  	v2 =	vld [tilespmem:$0x70];
	_ =	sdelay $0x4  }
0x63: {  	v2 =	vsub.s32 v2, v1  }
0x64: {  	vm15 =	vgt.s32 v2, $0xFFFFFFE0  }
0x65: {  	v2 =	vnsel vm15, $0xFFFFFFE0, v2  }
0x66: {  	vm0 =	vlt.s32 v2, $0x20  }
0x67: {  	v2 =	vnsel vm0, $0x20, v2  }
0x68: {  	v2 =	vadd.s32 $0x21, v2  }
0x69: {  	v2 =	vmul.u32 v0, v2;
	_ =	sdelay $0x1  }
0x6a: {  	[tilespmem:s25+$0xFFFFFF70] =	vst v2  }
0x6b: {  	v2 =	vld [tilespmem:$0x80];
	_ =	sdelay $0x4  }
0x6c: {  	v2 =	vsub.s32 v2, v1  }
0x6d: {  	vm4 =	vgt.s32 v2, $0xFFFFFFE0  }
0x6e: {  	v2 =	vnsel vm4, $0xFFFFFFE0, v2  }
0x6f: {  	vm0 =	vlt.s32 v2, $0x20  }
0x70: {  	v2 =	vnsel vm0, $0x20, v2  }
0x71: {  	v2 =	vadd.s32 $0x21, v2  }
0x72: {  	v2 =	vmul.u32 v0, v2;
	_ =	sdelay $0x1  }
0x73: {  	[tilespmem:s25+$0xFFFFFF80] =	vst v2  }
0x74: {  	v2 =	vld [tilespmem:$0x90];
	_ =	sdelay $0x4  }
0x75: {  	v2 =	vsub.s32 v2, v1  }
0x76: {  	vm5 =	vgt.s32 v2, $0xFFFFFFE0  }
0x77: {  	v2 =	vnsel vm5, $0xFFFFFFE0, v2  }
0x78: {  	vm0 =	vlt.s32 v2, $0x20  }
0x79: {  	v2 =	vnsel vm0, $0x20, v2  }
0x7a: {  	v2 =	vadd.s32 $0x21, v2  }
0x7b: {  	v2 =	vmul.u32 v0, v2;
	_ =	sdelay $0x1  }
0x7c: {  	[tilespmem:s25+$0xFFFFFF90] =	vst v2  }
0x7d: {  	v2 =	vld [tilespmem:$0xA0];
	_ =	sdelay $0x4  }
0x7e: {  	v2 =	vsub.s32 v2, v1  }
0x7f: {  	vm6 =	vgt.s32 v2, $0xFFFFFFE0  }
0x80: {  	v2 =	vnsel vm6, $0xFFFFFFE0, v2  }
0x81: {  	vm0 =	vlt.s32 v2, $0x20  }
0x82: {  	v2 =	vnsel vm0, $0x20, v2  }
0x83: {  	v2 =	vadd.s32 $0x21, v2  }
0x84: {  	v2 =	vmul.u32 v0, v2;
	_ =	sdelay $0x1  }
0x85: {  	[tilespmem:s25+$0xFFFFFFA0] =	vst v2  }
0x86: {  	v2 =	vld [tilespmem:$0xB0];
	_ =	sdelay $0x4  }
0x87: {  	v2 =	vsub.s32 v2, v1  }
0x88: {  	vm7 =	vgt.s32 v2, $0xFFFFFFE0  }
0x89: {  	v2 =	vnsel vm7, $0xFFFFFFE0, v2  }
0x8a: {  	vm0 =	vlt.s32 v2, $0x20  }
0x8b: {  	v2 =	vnsel vm0, $0x20, v2  }
0x8c: {  	v2 =	vadd.s32 $0x21, v2  }
0x8d: {  	v2 =	vmul.u32 v0, v2;
	_ =	sdelay $0x1  }
0x8e: {  	[tilespmem:s25+$0xFFFFFFB0] =	vst v2  }
0x8f: {  	v2 =	vld [tilespmem:$0xC0];
	_ =	sdelay $0x4  }
0x90: {  	v2 =	vsub.s32 v2, v1  }
0x91: {  	vm8 =	vgt.s32 v2, $0xFFFFFFE0  }
0x92: {  	v2 =	vnsel vm8, $0xFFFFFFE0, v2  }
0x93: {  	vm0 =	vlt.s32 v2, $0x20  }
0x94: {  	v2 =	vnsel vm0, $0x20, v2  }
0x95: {  	v2 =	vadd.s32 $0x21, v2  }
0x96: {  	v2 =	vmul.u32 v0, v2;
	_ =	sdelay $0x1  }
0x97: {  	[tilespmem:s25+$0xFFFFFFC0] =	vst v2  }
0x98: {  	v2 =	vld [tilespmem:$0xD0];
	_ =	sdelay $0x4  }
0x99: {  	v2 =	vsub.s32 v2, v1  }
0x9a: {  	vm9 =	vgt.s32 v2, $0xFFFFFFE0  }
0x9b: {  	v2 =	vnsel vm9, $0xFFFFFFE0, v2  }
0x9c: {  	vm0 =	vlt.s32 v2, $0x20  }
0x9d: {  	v2 =	vnsel vm0, $0x20, v2  }
0x9e: {  	v2 =	vadd.s32 $0x21, v2  }
0x9f: {  	v2 =	vmul.u32 v0, v2;
	_ =	sdelay $0x1  }
0xa0: {  	[tilespmem:s25+$0xFFFFFFD0] =	vst v2  }
0xa1: {  	v2 =	vld [tilespmem:$0xE0];
	_ =	sdelay $0x4  }
0xa2: {  	v2 =	vsub.s32 v2, v1  }
0xa3: {  	vm10 =	vgt.s32 v2, $0xFFFFFFE0  }
0xa4: {  	v2 =	vnsel vm10, $0xFFFFFFE0, v2  }
0xa5: {  	vm0 =	vlt.s32 v2, $0x20  }
0xa6: {  	v2 =	vnsel vm0, $0x20, v2  }
0xa7: {  	v2 =	vadd.s32 $0x21, v2  }
0xa8: {  	v2 =	vmul.u32 v0, v2;
	_ =	sdelay $0x1  }
0xa9: {  	[tilespmem:s25+$0xFFFFFFE0] =	vst v2  }
0xaa: {  	v2 =	vld [tilespmem:$0xF0];
	_ =	sdelay $0x4  }
0xab: {  	v2 =	vsub.s32 v2, v1  }
0xac: {  	vm11 =	vgt.s32 v2, $0xFFFFFFE0  }
0xad: {  	v2 =	vnsel vm11, $0xFFFFFFE0, v2  }
0xae: {  	vm0 =	vlt.s32 v2, $0x20  }
0xaf: {  	v2 =	vnsel vm0, $0x20, v2  }
0xb0: {  	v2 =	vadd.s32 $0x21, v2  }
0xb1: {  	v2 =	vmul.u32 v0, v2;
	_ =	sdelay $0x1  }
0xb2: {  	[tilespmem:s25+$0xFFFFFFF0] =	vst v2  }
0xb3: {  	v2 =	vld [tilespmem:$0x100];
	_ =	sdelay $0x4  }
0xb4: {  	v2 =	vsub.s32 v2, v1  }
0xb5: {  	vm12 =	vgt.s32 v2, $0xFFFFFFE0  }
0xb6: {  	v2 =	vnsel vm12, $0xFFFFFFE0, v2  }
0xb7: {  	vm0 =	vlt.s32 v2, $0x20  }
0xb8: {  	v2 =	vnsel vm0, $0x20, v2  }
0xb9: {  	v2 =	vadd.s32 $0x21, v2  }
0xba: {  	v2 =	vmul.u32 v0, v2;
	_ =	sdelay $0x1  }
0xbb: {  	[tilespmem:s25+$0x0] =	vst v2  }
0xbc: {  	v2 =	vld [tilespmem:$0x110];
	_ =	sdelay $0x4  }
0xbd: {  	v2 =	vsub.s32 v2, v1  }
0xbe: {  	vm13 =	vgt.s32 v2, $0xFFFFFFE0  }
0xbf: {  	v2 =	vnsel vm13, $0xFFFFFFE0, v2  }
0xc0: {  	vm0 =	vlt.s32 v2, $0x20  }
0xc1: {  	v2 =	vnsel vm0, $0x20, v2  }
0xc2: {  	v2 =	vadd.s32 $0x21, v2  }
0xc3: {  	v2 =	vmul.u32 v0, v2;
	_ =	sdelay $0x1  }
0xc4: {  	[tilespmem:s25+$0x10] =	vst v2  }
0xc5: {  	v2 =	vld [tilespmem:$0x120];
	_ =	sdelay $0x4  }
0xc6: {  	v2 =	vsub.s32 v2, v1  }
0xc7: {  	vm14 =	vgt.s32 v2, $0xFFFFFFE0  }
0xc8: {  	v2 =	vnsel vm14, $0xFFFFFFE0, v2  }
0xc9: {  	vm0 =	vlt.s32 v2, $0x20  }
0xca: {  	v2 =	vnsel vm0, $0x20, v2  }
0xcb: {  	v2 =	vadd.s32 $0x21, v2  }
0xcc: {  	v2 =	vmul.u32 v0, v2;
	_ =	sdelay $0x1  }
0xcd: {  	[tilespmem:s25+$0x20] =	vst v2  }
0xce: {  	v2 =	vld [tilespmem:$0x130];
	_ =	sdelay $0x4  }
0xcf: {  	v2 =	vsub.s32 v2, v1  }
0xd0: {  	vm15 =	vgt.s32 v2, $0xFFFFFFE0  }
0xd1: {  	v2 =	vnsel vm15, $0xFFFFFFE0, v2  }
0xd2: {  	vm0 =	vlt.s32 v2, $0x20  }
0xd3: {  	v2 =	vnsel vm0, $0x20, v2  }
0xd4: {  	v2 =	vadd.s32 $0x21, v2  }
0xd5: {  	v2 =	vmul.u32 v0, v2;
	_ =	sdelay $0x1  }
0xd6: {  	[tilespmem:s25+$0x30] =	vst v2  }
0xd7: {  	v2 =	vld [tilespmem:$0x140];
	_ =	sdelay $0x4  }
0xd8: {  	v2 =	vsub.s32 v2, v1  }
0xd9: {  	vm4 =	vgt.s32 v2, $0xFFFFFFE0  }
0xda: {  	v2 =	vnsel vm4, $0xFFFFFFE0, v2  }
0xdb: {  	vm0 =	vlt.s32 v2, $0x20  }
0xdc: {  	v2 =	vnsel vm0, $0x20, v2  }
0xdd: {  	v2 =	vadd.s32 $0x21, v2  }
0xde: {  	v2 =	vmul.u32 v0, v2;
	_ =	sdelay $0x1  }
0xdf: {  	[tilespmem:s25+$0x40] =	vst v2  }
0xe0: {  	v2 =	vld [tilespmem:$0x150];
	_ =	sdelay $0x4  }
0xe1: {  	v2 =	vsub.s32 v2, v1  }
0xe2: {  	vm5 =	vgt.s32 v2, $0xFFFFFFE0  }
0xe3: {  	v2 =	vnsel vm5, $0xFFFFFFE0, v2  }
0xe4: {  	vm0 =	vlt.s32 v2, $0x20  }
0xe5: {  	v2 =	vnsel vm0, $0x20, v2  }
0xe6: {  	v2 =	vadd.s32 $0x21, v2  }
0xe7: {  	v2 =	vmul.u32 v0, v2;
	_ =	sdelay $0x1  }
0xe8: {  	[tilespmem:s25+$0x50] =	vst v2  }
0xe9: {  	v2 =	vld [tilespmem:$0x160];
	_ =	sdelay $0x4  }
0xea: {  	v2 =	vsub.s32 v2, v1  }
0xeb: {  	vm6 =	vgt.s32 v2, $0xFFFFFFE0  }
0xec: {  	v2 =	vnsel vm6, $0xFFFFFFE0, v2  }
0xed: {  	vm0 =	vlt.s32 v2, $0x20  }
0xee: {  	v2 =	vnsel vm0, $0x20, v2  }
0xef: {  	v2 =	vadd.s32 $0x21, v2  }
0xf0: {  	v2 =	vmul.u32 v0, v2;
	_ =	sdelay $0x1  }
0xf1: {  	[tilespmem:s25+$0x60] =	vst v2  }
0xf2: {  	v2 =	vld [tilespmem:$0x170];
	_ =	sdelay $0x4  }
0xf3: {  	v2 =	vsub.s32 v2, v1  }
0xf4: {  	vm7 =	vgt.s32 v2, $0xFFFFFFE0  }
0xf5: {  	v2 =	vnsel vm7, $0xFFFFFFE0, v2  }
0xf6: {  	vm0 =	vlt.s32 v2, $0x20  }
0xf7: {  	v2 =	vnsel vm0, $0x20, v2  }
0xf8: {  	v2 =	vadd.s32 $0x21, v2  }
0xf9: {  	v2 =	vmul.u32 v0, v2;
	_ =	sdelay $0x1  }
0xfa: {  	[tilespmem:s25+$0x70] =	vst v2  }
0xfb: {  	v2 =	vld [tilespmem:$0x180];
	_ =	sdelay $0x4  }
0xfc: {  	v2 =	vsub.s32 v2, v1  }
0xfd: {  	vm8 =	vgt.s32 v2, $0xFFFFFFE0  }
0xfe: {  	v2 =	vnsel vm8, $0xFFFFFFE0, v2  }
0xff: {  	vm0 =	vlt.s32 v2, $0x20  }
0x100: {  	v2 =	vnsel vm0, $0x20, v2  }
0x101: {  	v2 =	vadd.s32 $0x21, v2  }
0x102: {  	v2 =	vmul.u32 v0, v2;
	_ =	sdelay $0x1  }
0x103: {  	[tilespmem:s25+$0x80] =	vst v2  }
0x104: {  	v2 =	vld [tilespmem:$0x190];
	_ =	sdelay $0x4  }
0x105: {  	v2 =	vsub.s32 v2, v1  }
0x106: {  	vm9 =	vgt.s32 v2, $0xFFFFFFE0  }
0x107: {  	v2 =	vnsel vm9, $0xFFFFFFE0, v2  }
0x108: {  	vm0 =	vlt.s32 v2, $0x20  }
0x109: {  	v2 =	vnsel vm0, $0x20, v2  }
0x10a: {  	v2 =	vadd.s32 $0x21, v2  }
0x10b: {  	v2 =	vmul.u32 v0, v2;
	_ =	sdelay $0x1  }
0x10c: {  	[tilespmem:s25+$0x90] =	vst v2  }
0x10d: {  	v2 =	vld [tilespmem:$0x1A0];
	_ =	sdelay $0x4  }
0x10e: {  	v2 =	vsub.s32 v2, v1  }
0x10f: {  	vm10 =	vgt.s32 v2, $0xFFFFFFE0  }
0x110: {  	v2 =	vnsel vm10, $0xFFFFFFE0, v2  }
0x111: {  	vm0 =	vlt.s32 v2, $0x20  }
0x112: {  	v2 =	vnsel vm0, $0x20, v2  }
0x113: {  	v2 =	vadd.s32 $0x21, v2  }
0x114: {  	v2 =	vmul.u32 v0, v2;
	_ =	sdelay $0x1  }
0x115: {  	[tilespmem:s25+$0xA0] =	vst v2  }
0x116: {  	v2 =	vld [tilespmem:$0x1B0];
	_ =	sdelay $0x4  }
0x117: {  	v2 =	vsub.s32 v2, v1  }
0x118: {  	vm11 =	vgt.s32 v2, $0xFFFFFFE0  }
0x119: {  	v2 =	vnsel vm11, $0xFFFFFFE0, v2  }
0x11a: {  	vm0 =	vlt.s32 v2, $0x20  }
0x11b: {  	v2 =	vnsel vm0, $0x20, v2  }
0x11c: {  	v2 =	vadd.s32 $0x21, v2  }
0x11d: {  	v2 =	vmul.u32 v0, v2;
	_ =	sdelay $0x1  }
0x11e: {  	[tilespmem:s25+$0xB0] =	vst v2  }
0x11f: {  	v2 =	vld [tilespmem:$0x1C0];
	_ =	sdelay $0x4  }
0x120: {  	v2 =	vsub.s32 v2, v1  }
0x121: {  	vm12 =	vgt.s32 v2, $0xFFFFFFE0  }
0x122: {  	v2 =	vnsel vm12, $0xFFFFFFE0, v2  }
0x123: {  	vm0 =	vlt.s32 v2, $0x20  }
0x124: {  	v2 =	vnsel vm0, $0x20, v2  }
0x125: {  	v2 =	vadd.s32 $0x21, v2  }
0x126: {  	v2 =	vmul.u32 v0, v2;
	_ =	sdelay $0x1  }
0x127: {  	[tilespmem:s25+$0xC0] =	vst v2  }
0x128: {  	v2 =	vld [tilespmem:$0x1D0];
	_ =	sdelay $0x4  }
0x129: {  	v2 =	vsub.s32 v2, v1  }
0x12a: {  	vm13 =	vgt.s32 v2, $0xFFFFFFE0  }
0x12b: {  	v2 =	vnsel vm13, $0xFFFFFFE0, v2  }
0x12c: {  	vm0 =	vlt.s32 v2, $0x20  }
0x12d: {  	v2 =	vnsel vm0, $0x20, v2  }
0x12e: {  	v2 =	vadd.s32 $0x21, v2  }
0x12f: {  	v2 =	vmul.u32 v0, v2;
	_ =	sdelay $0x1  }
0x130: {  	[tilespmem:s25+$0xD0] =	vst v2  }
0x131: {  	v2 =	vld [tilespmem:$0x1E0];
	_ =	sdelay $0x4  }
0x132: {  	v2 =	vsub.s32 v2, v1  }
0x133: {  	vm14 =	vgt.s32 v2, $0xFFFFFFE0  }
0x134: {  	v2 =	vnsel vm14, $0xFFFFFFE0, v2  }
0x135: {  	vm0 =	vlt.s32 v2, $0x20  }
0x136: {  	v2 =	vnsel vm0, $0x20, v2  }
0x137: {  	v2 =	vadd.s32 $0x21, v2  }
0x138: {  	v2 =	vmul.u32 v0, v2;
	_ =	sdelay $0x1  }
0x139: {  	[tilespmem:s25+$0xE0] =	vst v2  }
0x13a: {  	v2 =	vld [tilespmem:$0x1F0];
	_ =	sdelay $0x4  }
0x13b: {  	v1 =	vsub.s32 v2, v1  }
0x13c: {  	vm15 =	vgt.s32 v1, $0xFFFFFFE0  }
0x13d: {  	v1 =	vnsel vm15, $0xFFFFFFE0, v1  }
0x13e: {  	vm0 =	vlt.s32 v1, $0x20  }
0x13f: {  	v1 =	vnsel vm0, $0x20, v1  }
0x140: {  	v1 =	vadd.s32 $0x21, v1  }
0x141: {  	v0 =	vmul.u32 v0, v1  }
0x142: {  	s28 =	simm.s32 $0x1;
	s26 =	simm.s32 $0x8  }
.LBB2_2:
0x143: {  	p1 =	sne.s32 s26, $0x3C;
	s29 =	sadd.s32 s28, s8;
	[tilespmem:s25+$0xF0] =	vst v0  }
0x144: {  	v1 =	vld.msk [tilespmem:s29+$0x0 ss:$0x0], $0xffff  }
0x145: {  	v2 =	vld [tilespmem:$0x0];
	_ =	sdelay $0x3  }
0x146: {  	s28 =	sadd.s32 s28, s10  }
0x147: {  	v0 =	vld.msk [tilespmem:s28+$0x0 ss:$0x0], $0xffff;
	v2 =	vsub.s32 v2, v1  }
0x148: {  	vm0 =	vgt.s32 v2, $0xFFFFFFE0  }
0x149: {  	v2 =	vnsel vm0, $0xFFFFFFE0, v2  }
0x14a: {  	vm0 =	vlt.s32 v2, $0x20  }
0x14b: {  	v2 =	vnsel vm0, $0x20, v2  }
0x14c: {  	v2 =	vadd.s32 $0x21, v2  }
0x14d: {  	v2 =	vmul.u32 v0, v2  }
0x14e: {  	s25 =	sadd.s32 $0x200, s25  }
0x14f: {  	[tilespmem:s25+$0xFFFFFF00] =	vst v2  }
0x150: {  	v2 =	vld [tilespmem:$0x10];
	_ =	sdelay $0x4  }
0x151: {  	v2 =	vsub.s32 v2, v1  }
0x152: {  	vm0 =	vgt.s32 v2, $0xFFFFFFE0  }
0x153: {  	v2 =	vnsel vm0, $0xFFFFFFE0, v2  }
0x154: {  	vm0 =	vlt.s32 v2, $0x20  }
0x155: {  	v2 =	vnsel vm0, $0x20, v2  }
0x156: {  	v2 =	vadd.s32 $0x21, v2  }
0x157: {  	v2 =	vmul.u32 v0, v2;
	_ =	sdelay $0x1  }
0x158: {  	[tilespmem:s25+$0xFFFFFF10] =	vst v2  }
0x159: {  	v2 =	vld [tilespmem:$0x20];
	_ =	sdelay $0x4  }
0x15a: {  	v2 =	vsub.s32 v2, v1  }
0x15b: {  	vm0 =	vgt.s32 v2, $0xFFFFFFE0  }
0x15c: {  	v2 =	vnsel vm0, $0xFFFFFFE0, v2  }
0x15d: {  	vm0 =	vlt.s32 v2, $0x20  }
0x15e: {  	v2 =	vnsel vm0, $0x20, v2  }
0x15f: {  	v2 =	vadd.s32 $0x21, v2  }
0x160: {  	v2 =	vmul.u32 v0, v2;
	_ =	sdelay $0x1  }
0x161: {  	[tilespmem:s25+$0xFFFFFF20] =	vst v2  }
0x162: {  	v2 =	vld [tilespmem:$0x30];
	_ =	sdelay $0x4  }
0x163: {  	v2 =	vsub.s32 v2, v1  }
0x164: {  	vm0 =	vgt.s32 v2, $0xFFFFFFE0  }
0x165: {  	v2 =	vnsel vm0, $0xFFFFFFE0, v2  }
0x166: {  	vm0 =	vlt.s32 v2, $0x20  }
0x167: {  	v2 =	vnsel vm0, $0x20, v2  }
0x168: {  	v2 =	vadd.s32 $0x21, v2  }
0x169: {  	v2 =	vmul.u32 v0, v2;
	_ =	sdelay $0x1  }
0x16a: {  	[tilespmem:s25+$0xFFFFFF30] =	vst v2  }
0x16b: {  	v2 =	vld [tilespmem:$0x40];
	_ =	sdelay $0x4  }
0x16c: {  	v2 =	vsub.s32 v2, v1  }
0x16d: {  	vm0 =	vgt.s32 v2, $0xFFFFFFE0  }
0x16e: {  	v2 =	vnsel vm0, $0xFFFFFFE0, v2  }
0x16f: {  	vm0 =	vlt.s32 v2, $0x20  }
0x170: {  	v2 =	vnsel vm0, $0x20, v2  }
0x171: {  	v2 =	vadd.s32 $0x21, v2  }
0x172: {  	v2 =	vmul.u32 v0, v2;
	_ =	sdelay $0x1  }
0x173: {  	[tilespmem:s25+$0xFFFFFF40] =	vst v2  }
0x174: {  	v2 =	vld [tilespmem:$0x50];
	_ =	sdelay $0x4  }
0x175: {  	v2 =	vsub.s32 v2, v1  }
0x176: {  	vm0 =	vgt.s32 v2, $0xFFFFFFE0  }
0x177: {  	v2 =	vnsel vm0, $0xFFFFFFE0, v2  }
0x178: {  	vm0 =	vlt.s32 v2, $0x20  }
0x179: {  	v2 =	vnsel vm0, $0x20, v2  }
0x17a: {  	v2 =	vadd.s32 $0x21, v2  }
0x17b: {  	v2 =	vmul.u32 v0, v2;
	_ =	sdelay $0x1  }
0x17c: {  	[tilespmem:s25+$0xFFFFFF50] =	vst v2  }
0x17d: {  	v2 =	vld [tilespmem:$0x60];
	_ =	sdelay $0x4  }
0x17e: {  	v2 =	vsub.s32 v2, v1  }
0x17f: {  	vm0 =	vgt.s32 v2, $0xFFFFFFE0  }
0x180: {  	v2 =	vnsel vm0, $0xFFFFFFE0, v2  }
0x181: {  	vm0 =	vlt.s32 v2, $0x20  }
0x182: {  	v2 =	vnsel vm0, $0x20, v2  }
0x183: {  	v2 =	vadd.s32 $0x21, v2  }
0x184: {  	v2 =	vmul.u32 v0, v2;
	_ =	sdelay $0x1  }
0x185: {  	[tilespmem:s25+$0xFFFFFF60] =	vst v2  }
0x186: {  	v2 =	vld [tilespmem:$0x70];
	_ =	sdelay $0x4  }
0x187: {  	v2 =	vsub.s32 v2, v1  }
0x188: {  	vm0 =	vgt.s32 v2, $0xFFFFFFE0  }
0x189: {  	v2 =	vnsel vm0, $0xFFFFFFE0, v2  }
0x18a: {  	vm0 =	vlt.s32 v2, $0x20  }
0x18b: {  	v2 =	vnsel vm0, $0x20, v2  }
0x18c: {  	v2 =	vadd.s32 $0x21, v2  }
0x18d: {  	v2 =	vmul.u32 v0, v2;
	_ =	sdelay $0x1  }
0x18e: {  	[tilespmem:s25+$0xFFFFFF70] =	vst v2  }
0x18f: {  	v2 =	vld [tilespmem:$0x80];
	_ =	sdelay $0x4  }
0x190: {  	v2 =	vsub.s32 v2, v1  }
0x191: {  	vm0 =	vgt.s32 v2, $0xFFFFFFE0  }
0x192: {  	v2 =	vnsel vm0, $0xFFFFFFE0, v2  }
0x193: {  	vm0 =	vlt.s32 v2, $0x20  }
0x194: {  	v2 =	vnsel vm0, $0x20, v2  }
0x195: {  	v2 =	vadd.s32 $0x21, v2  }
0x196: {  	v2 =	vmul.u32 v0, v2;
	_ =	sdelay $0x1  }
0x197: {  	[tilespmem:s25+$0xFFFFFF80] =	vst v2  }
0x198: {  	v2 =	vld [tilespmem:$0x90];
	_ =	sdelay $0x4  }
0x199: {  	v2 =	vsub.s32 v2, v1  }
0x19a: {  	vm0 =	vgt.s32 v2, $0xFFFFFFE0  }
0x19b: {  	v2 =	vnsel vm0, $0xFFFFFFE0, v2  }
0x19c: {  	vm0 =	vlt.s32 v2, $0x20  }
0x19d: {  	v2 =	vnsel vm0, $0x20, v2  }
0x19e: {  	v2 =	vadd.s32 $0x21, v2  }
0x19f: {  	v2 =	vmul.u32 v0, v2;
	_ =	sdelay $0x1  }
0x1a0: {  	[tilespmem:s25+$0xFFFFFF90] =	vst v2  }
0x1a1: {  	v2 =	vld [tilespmem:$0xA0];
	_ =	sdelay $0x4  }
0x1a2: {  	v2 =	vsub.s32 v2, v1  }
0x1a3: {  	vm0 =	vgt.s32 v2, $0xFFFFFFE0  }
0x1a4: {  	v2 =	vnsel vm0, $0xFFFFFFE0, v2  }
0x1a5: {  	vm0 =	vlt.s32 v2, $0x20  }
0x1a6: {  	v2 =	vnsel vm0, $0x20, v2  }
0x1a7: {  	v2 =	vadd.s32 $0x21, v2  }
0x1a8: {  	v2 =	vmul.u32 v0, v2;
	_ =	sdelay $0x1  }
0x1a9: {  	[tilespmem:s25+$0xFFFFFFA0] =	vst v2  }
0x1aa: {  	v2 =	vld [tilespmem:$0xB0];
	_ =	sdelay $0x4  }
0x1ab: {  	v2 =	vsub.s32 v2, v1  }
0x1ac: {  	vm0 =	vgt.s32 v2, $0xFFFFFFE0  }
0x1ad: {  	v2 =	vnsel vm0, $0xFFFFFFE0, v2  }
0x1ae: {  	vm0 =	vlt.s32 v2, $0x20  }
0x1af: {  	v2 =	vnsel vm0, $0x20, v2  }
0x1b0: {  	v2 =	vadd.s32 $0x21, v2  }
0x1b1: {  	v2 =	vmul.u32 v0, v2;
	_ =	sdelay $0x1  }
0x1b2: {  	[tilespmem:s25+$0xFFFFFFB0] =	vst v2  }
0x1b3: {  	v2 =	vld [tilespmem:$0xC0];
	_ =	sdelay $0x4  }
0x1b4: {  	v2 =	vsub.s32 v2, v1  }
0x1b5: {  	vm0 =	vgt.s32 v2, $0xFFFFFFE0  }
0x1b6: {  	v2 =	vnsel vm0, $0xFFFFFFE0, v2  }
0x1b7: {  	vm0 =	vlt.s32 v2, $0x20  }
0x1b8: {  	v2 =	vnsel vm0, $0x20, v2  }
0x1b9: {  	v2 =	vadd.s32 $0x21, v2  }
0x1ba: {  	v2 =	vmul.u32 v0, v2;
	_ =	sdelay $0x1  }
0x1bb: {  	[tilespmem:s25+$0xFFFFFFC0] =	vst v2  }
0x1bc: {  	v2 =	vld [tilespmem:$0xD0];
	_ =	sdelay $0x4  }
0x1bd: {  	v2 =	vsub.s32 v2, v1  }
0x1be: {  	vm0 =	vgt.s32 v2, $0xFFFFFFE0  }
0x1bf: {  	v2 =	vnsel vm0, $0xFFFFFFE0, v2  }
0x1c0: {  	vm0 =	vlt.s32 v2, $0x20  }
0x1c1: {  	v2 =	vnsel vm0, $0x20, v2  }
0x1c2: {  	v2 =	vadd.s32 $0x21, v2  }
0x1c3: {  	v2 =	vmul.u32 v0, v2;
	_ =	sdelay $0x1  }
0x1c4: {  	[tilespmem:s25+$0xFFFFFFD0] =	vst v2  }
0x1c5: {  	v2 =	vld [tilespmem:$0xE0];
	_ =	sdelay $0x4  }
0x1c6: {  	v2 =	vsub.s32 v2, v1  }
0x1c7: {  	vm0 =	vgt.s32 v2, $0xFFFFFFE0  }
0x1c8: {  	v2 =	vnsel vm0, $0xFFFFFFE0, v2  }
0x1c9: {  	vm0 =	vlt.s32 v2, $0x20  }
0x1ca: {  	v2 =	vnsel vm0, $0x20, v2  }
0x1cb: {  	v2 =	vadd.s32 $0x21, v2  }
0x1cc: {  	v2 =	vmul.u32 v0, v2;
	_ =	sdelay $0x1  }
0x1cd: {  	[tilespmem:s25+$0xFFFFFFE0] =	vst v2  }
0x1ce: {  	v2 =	vld [tilespmem:$0xF0];
	_ =	sdelay $0x4  }
0x1cf: {  	v2 =	vsub.s32 v2, v1  }
0x1d0: {  	vm0 =	vgt.s32 v2, $0xFFFFFFE0  }
0x1d1: {  	v2 =	vnsel vm0, $0xFFFFFFE0, v2  }
0x1d2: {  	vm0 =	vlt.s32 v2, $0x20  }
0x1d3: {  	v2 =	vnsel vm0, $0x20, v2  }
0x1d4: {  	v2 =	vadd.s32 $0x21, v2  }
0x1d5: {  	v2 =	vmul.u32 v0, v2;
	_ =	sdelay $0x1  }
0x1d6: {  	[tilespmem:s25+$0xFFFFFFF0] =	vst v2  }
0x1d7: {  	v2 =	vld [tilespmem:$0x100];
	_ =	sdelay $0x4  }
0x1d8: {  	v2 =	vsub.s32 v2, v1  }
0x1d9: {  	vm0 =	vgt.s32 v2, $0xFFFFFFE0  }
0x1da: {  	v2 =	vnsel vm0, $0xFFFFFFE0, v2  }
0x1db: {  	vm0 =	vlt.s32 v2, $0x20  }
0x1dc: {  	v2 =	vnsel vm0, $0x20, v2  }
0x1dd: {  	v2 =	vadd.s32 $0x21, v2  }
0x1de: {  	v2 =	vmul.u32 v0, v2;
	_ =	sdelay $0x1  }
0x1df: {  	[tilespmem:s25+$0x0] =	vst v2  }
0x1e0: {  	v2 =	vld [tilespmem:$0x110];
	_ =	sdelay $0x4  }
0x1e1: {  	v2 =	vsub.s32 v2, v1  }
0x1e2: {  	vm0 =	vgt.s32 v2, $0xFFFFFFE0  }
0x1e3: {  	v2 =	vnsel vm0, $0xFFFFFFE0, v2  }
0x1e4: {  	vm0 =	vlt.s32 v2, $0x20  }
0x1e5: {  	v2 =	vnsel vm0, $0x20, v2  }
0x1e6: {  	v2 =	vadd.s32 $0x21, v2  }
0x1e7: {  	v2 =	vmul.u32 v0, v2;
	_ =	sdelay $0x1  }
0x1e8: {  	[tilespmem:s25+$0x10] =	vst v2  }
0x1e9: {  	v2 =	vld [tilespmem:$0x120];
	_ =	sdelay $0x4  }
0x1ea: {  	v2 =	vsub.s32 v2, v1  }
0x1eb: {  	vm0 =	vgt.s32 v2, $0xFFFFFFE0  }
0x1ec: {  	v2 =	vnsel vm0, $0xFFFFFFE0, v2  }
0x1ed: {  	vm0 =	vlt.s32 v2, $0x20  }
0x1ee: {  	v2 =	vnsel vm0, $0x20, v2  }
0x1ef: {  	v2 =	vadd.s32 $0x21, v2  }
0x1f0: {  	v2 =	vmul.u32 v0, v2;
	_ =	sdelay $0x1  }
0x1f1: {  	[tilespmem:s25+$0x20] =	vst v2  }
0x1f2: {  	v2 =	vld [tilespmem:$0x130];
	_ =	sdelay $0x4  }
0x1f3: {  	v2 =	vsub.s32 v2, v1  }
0x1f4: {  	vm0 =	vgt.s32 v2, $0xFFFFFFE0  }
0x1f5: {  	v2 =	vnsel vm0, $0xFFFFFFE0, v2  }
0x1f6: {  	vm0 =	vlt.s32 v2, $0x20  }
0x1f7: {  	v2 =	vnsel vm0, $0x20, v2  }
0x1f8: {  	v2 =	vadd.s32 $0x21, v2  }
0x1f9: {  	v2 =	vmul.u32 v0, v2;
	_ =	sdelay $0x1  }
0x1fa: {  	[tilespmem:s25+$0x30] =	vst v2  }
0x1fb: {  	v2 =	vld [tilespmem:$0x140];
	_ =	sdelay $0x4  }
0x1fc: {  	v2 =	vsub.s32 v2, v1  }
0x1fd: {  	vm0 =	vgt.s32 v2, $0xFFFFFFE0  }
0x1fe: {  	v2 =	vnsel vm0, $0xFFFFFFE0, v2  }
0x1ff: {  	vm0 =	vlt.s32 v2, $0x20  }
0x200: {  	v2 =	vnsel vm0, $0x20, v2  }
0x201: {  	v2 =	vadd.s32 $0x21, v2  }
0x202: {  	v2 =	vmul.u32 v0, v2;
	_ =	sdelay $0x1  }
0x203: {  	[tilespmem:s25+$0x40] =	vst v2  }
0x204: {  	v2 =	vld [tilespmem:$0x150];
	_ =	sdelay $0x4  }
0x205: {  	v2 =	vsub.s32 v2, v1  }
0x206: {  	vm0 =	vgt.s32 v2, $0xFFFFFFE0  }
0x207: {  	v2 =	vnsel vm0, $0xFFFFFFE0, v2  }
0x208: {  	vm0 =	vlt.s32 v2, $0x20  }
0x209: {  	v2 =	vnsel vm0, $0x20, v2  }
0x20a: {  	v2 =	vadd.s32 $0x21, v2  }
0x20b: {  	v2 =	vmul.u32 v0, v2;
	_ =	sdelay $0x1  }
0x20c: {  	[tilespmem:s25+$0x50] =	vst v2  }
0x20d: {  	v2 =	vld [tilespmem:$0x160];
	_ =	sdelay $0x4  }
0x20e: {  	v2 =	vsub.s32 v2, v1  }
0x20f: {  	vm0 =	vgt.s32 v2, $0xFFFFFFE0  }
0x210: {  	v2 =	vnsel vm0, $0xFFFFFFE0, v2  }
0x211: {  	vm0 =	vlt.s32 v2, $0x20  }
0x212: {  	v2 =	vnsel vm0, $0x20, v2  }
0x213: {  	v2 =	vadd.s32 $0x21, v2  }
0x214: {  	v2 =	vmul.u32 v0, v2;
	_ =	sdelay $0x1  }
0x215: {  	[tilespmem:s25+$0x60] =	vst v2  }
0x216: {  	v2 =	vld [tilespmem:$0x170];
	_ =	sdelay $0x4  }
0x217: {  	v2 =	vsub.s32 v2, v1  }
0x218: {  	vm0 =	vgt.s32 v2, $0xFFFFFFE0  }
0x219: {  	v2 =	vnsel vm0, $0xFFFFFFE0, v2  }
0x21a: {  	vm0 =	vlt.s32 v2, $0x20  }
0x21b: {  	v2 =	vnsel vm0, $0x20, v2  }
0x21c: {  	v2 =	vadd.s32 $0x21, v2  }
0x21d: {  	v2 =	vmul.u32 v0, v2;
	_ =	sdelay $0x1  }
0x21e: {  	[tilespmem:s25+$0x70] =	vst v2  }
0x21f: {  	v2 =	vld [tilespmem:$0x180];
	_ =	sdelay $0x4  }
0x220: {  	v2 =	vsub.s32 v2, v1  }
0x221: {  	vm0 =	vgt.s32 v2, $0xFFFFFFE0  }
0x222: {  	v2 =	vnsel vm0, $0xFFFFFFE0, v2  }
0x223: {  	vm0 =	vlt.s32 v2, $0x20  }
0x224: {  	v2 =	vnsel vm0, $0x20, v2  }
0x225: {  	v2 =	vadd.s32 $0x21, v2  }
0x226: {  	v2 =	vmul.u32 v0, v2;
	_ =	sdelay $0x1  }
0x227: {  	[tilespmem:s25+$0x80] =	vst v2  }
0x228: {  	v2 =	vld [tilespmem:$0x190];
	_ =	sdelay $0x4  }
0x229: {  	v2 =	vsub.s32 v2, v1  }
0x22a: {  	vm0 =	vgt.s32 v2, $0xFFFFFFE0  }
0x22b: {  	v2 =	vnsel vm0, $0xFFFFFFE0, v2  }
0x22c: {  	vm0 =	vlt.s32 v2, $0x20  }
0x22d: {  	v2 =	vnsel vm0, $0x20, v2  }
0x22e: {  	v2 =	vadd.s32 $0x21, v2  }
0x22f: {  	v2 =	vmul.u32 v0, v2;
	_ =	sdelay $0x1  }
0x230: {  	[tilespmem:s25+$0x90] =	vst v2  }
0x231: {  	v2 =	vld [tilespmem:$0x1A0];
	_ =	sdelay $0x4  }
0x232: {  	v2 =	vsub.s32 v2, v1  }
0x233: {  	vm0 =	vgt.s32 v2, $0xFFFFFFE0  }
0x234: {  	v2 =	vnsel vm0, $0xFFFFFFE0, v2  }
0x235: {  	vm0 =	vlt.s32 v2, $0x20  }
0x236: {  	v2 =	vnsel vm0, $0x20, v2  }
0x237: {  	v2 =	vadd.s32 $0x21, v2  }
0x238: {  	v2 =	vmul.u32 v0, v2;
	_ =	sdelay $0x1  }
0x239: {  	[tilespmem:s25+$0xA0] =	vst v2  }
0x23a: {  	v2 =	vld [tilespmem:$0x1B0];
	_ =	sdelay $0x4  }
0x23b: {  	v2 =	vsub.s32 v2, v1  }
0x23c: {  	vm0 =	vgt.s32 v2, $0xFFFFFFE0  }
0x23d: {  	v2 =	vnsel vm0, $0xFFFFFFE0, v2  }
0x23e: {  	vm0 =	vlt.s32 v2, $0x20  }
0x23f: {  	v2 =	vnsel vm0, $0x20, v2  }
0x240: {  	v2 =	vadd.s32 $0x21, v2  }
0x241: {  	v2 =	vmul.u32 v0, v2;
	_ =	sdelay $0x1  }
0x242: {  	[tilespmem:s25+$0xB0] =	vst v2  }
0x243: {  	v2 =	vld [tilespmem:$0x1C0];
	_ =	sdelay $0x4  }
0x244: {  	v2 =	vsub.s32 v2, v1  }
0x245: {  	vm0 =	vgt.s32 v2, $0xFFFFFFE0  }
0x246: {  	v2 =	vnsel vm0, $0xFFFFFFE0, v2  }
0x247: {  	vm0 =	vlt.s32 v2, $0x20  }
0x248: {  	v2 =	vnsel vm0, $0x20, v2  }
0x249: {  	v2 =	vadd.s32 $0x21, v2  }
0x24a: {  	v2 =	vmul.u32 v0, v2;
	_ =	sdelay $0x1  }
0x24b: {  	[tilespmem:s25+$0xC0] =	vst v2  }
0x24c: {  	v2 =	vld [tilespmem:$0x1D0];
	_ =	sdelay $0x4  }
0x24d: {  	v2 =	vsub.s32 v2, v1  }
0x24e: {  	vm0 =	vgt.s32 v2, $0xFFFFFFE0  }
0x24f: {  	v2 =	vnsel vm0, $0xFFFFFFE0, v2  }
0x250: {  	vm0 =	vlt.s32 v2, $0x20  }
0x251: {  	v2 =	vnsel vm0, $0x20, v2  }
0x252: {  	v2 =	vadd.s32 $0x21, v2  }
0x253: {  	v2 =	vmul.u32 v0, v2;
	_ =	sdelay $0x1  }
0x254: {  	[tilespmem:s25+$0xD0] =	vst v2  }
0x255: {  	v2 =	vld [tilespmem:$0x1E0];
	_ =	sdelay $0x4  }
0x256: {  	v2 =	vsub.s32 v2, v1  }
0x257: {  	vm0 =	vgt.s32 v2, $0xFFFFFFE0  }
0x258: {  	v2 =	vnsel vm0, $0xFFFFFFE0, v2  }
0x259: {  	vm0 =	vlt.s32 v2, $0x20  }
0x25a: {  	v2 =	vnsel vm0, $0x20, v2  }
0x25b: {  	v2 =	vadd.s32 $0x21, v2  }
0x25c: {  	v2 =	vmul.u32 v0, v2;
	_ =	sdelay $0x1  }
0x25d: {  	[tilespmem:s25+$0xE0] =	vst v2  }
0x25e: {  	v2 =	vld [tilespmem:$0x1F0];
	_ =	sdelay $0x4  }
0x25f: {  	v1 =	vsub.s32 v2, v1  }
0x260: {  	vm0 =	vgt.s32 v1, $0xFFFFFFE0  }
0x261: {  	v1 =	vnsel vm0, $0xFFFFFFE0, v1  }
.Ltmp0:
0x262: {  	vm0 =	vlt.s32 v1, $0x20;
	(pc) =	sbr.rel @p1 .LBB2_2-.Ltmp0, $4  }
0x263: {  	v1 =	vnsel vm0, $0x20, v1  }
0x264: {  	v1 =	vadd.s32 $0x21, v1  }
0x265: {  	v0 =	vmul.u32 v0, v1  }
0x266: {  	s28 =	sshra.s32 s26, $0x2;
	s26 =	sadd.s32 $0x4, s26  }
0x267: {  	s26 =	sadd.s32 s28, s8;
	[tilespmem:s25+$0xF0] =	vst v0  }
0x268: {  	v1 =	vld.msk [tilespmem:s26+$0x0 ss:$0x0], $0xffff  }
0x269: {  	v0 =	vld [tilespmem:$0x0];
	_ =	sdelay $0x4  }
0x26a: {  	s31 =	sadd.s32 s28, s10;
	v2 =	vsub.s32 v0, v1  }
0x26b: {  	v63 =	vld.msk [tilespmem:s31+$0x0 ss:$0x0], $0xffff;
	vm0 =	vgt.s32 v2, $0xFFFFFFE0  }
0x26c: {  	v2 =	vnsel vm0, $0xFFFFFFE0, v2  }
0x26d: {  	vm0 =	vlt.s32 v2, $0x20  }
0x26e: {  	v2 =	vnsel vm0, $0x20, v2  }
0x26f: {  	v2 =	vadd.s32 $0x21, v2  }
0x270: {  	v2 =	vmul.u32 v63, v2  }
0x271: {  	s29 =	sadd.s32 $0x200, s25  }
0x272: {  	[tilespmem:s29+$0xFFFFFF00] =	vst v2  }
0x273: {  	v2 =	vld [tilespmem:$0x10];
	_ =	sdelay $0x4  }
0x274: {  	v2 =	vsub.s32 v2, v1  }
0x275: {  	vm9 =	vgt.s32 v2, $0xFFFFFFE0  }
0x276: {  	v2 =	vnsel vm9, $0xFFFFFFE0, v2  }
0x277: {  	vm0 =	vlt.s32 v2, $0x20  }
0x278: {  	v2 =	vnsel vm0, $0x20, v2  }
0x279: {  	v2 =	vadd.s32 $0x21, v2  }
0x27a: {  	v2 =	vmul.u32 v63, v2;
	_ =	sdelay $0x1  }
0x27b: {  	[tilespmem:s29+$0xFFFFFF10] =	vst v2  }
0x27c: {  	v2 =	vld [tilespmem:$0x20];
	_ =	sdelay $0x4  }
0x27d: {  	v2 =	vsub.s32 v2, v1  }
0x27e: {  	vm10 =	vgt.s32 v2, $0xFFFFFFE0  }
0x27f: {  	v2 =	vnsel vm10, $0xFFFFFFE0, v2  }
0x280: {  	vm0 =	vlt.s32 v2, $0x20  }
0x281: {  	v2 =	vnsel vm0, $0x20, v2  }
0x282: {  	v2 =	vadd.s32 $0x21, v2  }
0x283: {  	v2 =	vmul.u32 v63, v2;
	_ =	sdelay $0x1  }
0x284: {  	[tilespmem:s29+$0xFFFFFF20] =	vst v2  }
0x285: {  	v2 =	vld [tilespmem:$0x30];
	_ =	sdelay $0x4  }
0x286: {  	v2 =	vsub.s32 v2, v1  }
0x287: {  	vm11 =	vgt.s32 v2, $0xFFFFFFE0  }
0x288: {  	v2 =	vnsel vm11, $0xFFFFFFE0, v2  }
0x289: {  	vm0 =	vlt.s32 v2, $0x20  }
0x28a: {  	v2 =	vnsel vm0, $0x20, v2  }
0x28b: {  	v2 =	vadd.s32 $0x21, v2  }
0x28c: {  	v2 =	vmul.u32 v63, v2;
	_ =	sdelay $0x1  }
0x28d: {  	[tilespmem:s29+$0xFFFFFF30] =	vst v2  }
0x28e: {  	v2 =	vld [tilespmem:$0x40];
	_ =	sdelay $0x4  }
0x28f: {  	v2 =	vsub.s32 v2, v1  }
0x290: {  	vm12 =	vgt.s32 v2, $0xFFFFFFE0  }
0x291: {  	v2 =	vnsel vm12, $0xFFFFFFE0, v2  }
0x292: {  	vm0 =	vlt.s32 v2, $0x20  }
0x293: {  	v2 =	vnsel vm0, $0x20, v2  }
0x294: {  	v2 =	vadd.s32 $0x21, v2  }
0x295: {  	v2 =	vmul.u32 v63, v2;
	_ =	sdelay $0x1  }
0x296: {  	[tilespmem:s29+$0xFFFFFF40] =	vst v2  }
0x297: {  	v2 =	vld [tilespmem:$0x50];
	_ =	sdelay $0x4  }
0x298: {  	v2 =	vsub.s32 v2, v1  }
0x299: {  	vm13 =	vgt.s32 v2, $0xFFFFFFE0  }
0x29a: {  	v2 =	vnsel vm13, $0xFFFFFFE0, v2  }
0x29b: {  	vm0 =	vlt.s32 v2, $0x20  }
0x29c: {  	v2 =	vnsel vm0, $0x20, v2  }
0x29d: {  	v2 =	vadd.s32 $0x21, v2  }
0x29e: {  	v2 =	vmul.u32 v63, v2;
	_ =	sdelay $0x1  }
0x29f: {  	[tilespmem:s29+$0xFFFFFF50] =	vst v2  }
0x2a0: {  	v2 =	vld [tilespmem:$0x60];
	_ =	sdelay $0x4  }
0x2a1: {  	v2 =	vsub.s32 v2, v1  }
0x2a2: {  	vm14 =	vgt.s32 v2, $0xFFFFFFE0  }
0x2a3: {  	v2 =	vnsel vm14, $0xFFFFFFE0, v2  }
0x2a4: {  	vm0 =	vlt.s32 v2, $0x20  }
0x2a5: {  	v2 =	vnsel vm0, $0x20, v2  }
0x2a6: {  	v2 =	vadd.s32 $0x21, v2  }
0x2a7: {  	v2 =	vmul.u32 v63, v2;
	_ =	sdelay $0x1  }
0x2a8: {  	[tilespmem:s29+$0xFFFFFF60] =	vst v2  }
0x2a9: {  	v2 =	vld [tilespmem:$0x70];
	_ =	sdelay $0x4  }
0x2aa: {  	v2 =	vsub.s32 v2, v1  }
0x2ab: {  	vm15 =	vgt.s32 v2, $0xFFFFFFE0  }
0x2ac: {  	v2 =	vnsel vm15, $0xFFFFFFE0, v2  }
0x2ad: {  	vm0 =	vlt.s32 v2, $0x20  }
0x2ae: {  	v2 =	vnsel vm0, $0x20, v2  }
0x2af: {  	v2 =	vadd.s32 $0x21, v2  }
0x2b0: {  	v2 =	vmul.u32 v63, v2;
	_ =	sdelay $0x1  }
0x2b1: {  	[tilespmem:s29+$0xFFFFFF70] =	vst v2  }
0x2b2: {  	v2 =	vld [tilespmem:$0x80];
	_ =	sdelay $0x4  }
0x2b3: {  	v2 =	vsub.s32 v2, v1  }
0x2b4: {  	vm4 =	vgt.s32 v2, $0xFFFFFFE0  }
0x2b5: {  	v2 =	vnsel vm4, $0xFFFFFFE0, v2  }
0x2b6: {  	vm0 =	vlt.s32 v2, $0x20  }
0x2b7: {  	v2 =	vnsel vm0, $0x20, v2  }
0x2b8: {  	v2 =	vadd.s32 $0x21, v2  }
0x2b9: {  	v2 =	vmul.u32 v63, v2;
	_ =	sdelay $0x1  }
0x2ba: {  	[tilespmem:s29+$0xFFFFFF80] =	vst v2  }
0x2bb: {  	v2 =	vld [tilespmem:$0x90];
	_ =	sdelay $0x4  }
0x2bc: {  	v2 =	vsub.s32 v2, v1  }
0x2bd: {  	vm5 =	vgt.s32 v2, $0xFFFFFFE0  }
0x2be: {  	v2 =	vnsel vm5, $0xFFFFFFE0, v2  }
0x2bf: {  	vm0 =	vlt.s32 v2, $0x20  }
0x2c0: {  	v2 =	vnsel vm0, $0x20, v2  }
0x2c1: {  	v2 =	vadd.s32 $0x21, v2  }
0x2c2: {  	v2 =	vmul.u32 v63, v2;
	_ =	sdelay $0x1  }
0x2c3: {  	[tilespmem:s29+$0xFFFFFF90] =	vst v2  }
0x2c4: {  	v2 =	vld [tilespmem:$0xA0];
	_ =	sdelay $0x4  }
0x2c5: {  	v2 =	vsub.s32 v2, v1  }
0x2c6: {  	vm6 =	vgt.s32 v2, $0xFFFFFFE0  }
0x2c7: {  	v2 =	vnsel vm6, $0xFFFFFFE0, v2  }
0x2c8: {  	vm0 =	vlt.s32 v2, $0x20  }
0x2c9: {  	v2 =	vnsel vm0, $0x20, v2  }
0x2ca: {  	v2 =	vadd.s32 $0x21, v2  }
0x2cb: {  	v2 =	vmul.u32 v63, v2;
	_ =	sdelay $0x1  }
0x2cc: {  	[tilespmem:s29+$0xFFFFFFA0] =	vst v2  }
0x2cd: {  	v2 =	vld [tilespmem:$0xB0];
	_ =	sdelay $0x4  }
0x2ce: {  	v2 =	vsub.s32 v2, v1  }
0x2cf: {  	vm7 =	vgt.s32 v2, $0xFFFFFFE0  }
0x2d0: {  	v2 =	vnsel vm7, $0xFFFFFFE0, v2  }
0x2d1: {  	vm0 =	vlt.s32 v2, $0x20  }
0x2d2: {  	v2 =	vnsel vm0, $0x20, v2  }
0x2d3: {  	v2 =	vadd.s32 $0x21, v2  }
0x2d4: {  	v2 =	vmul.u32 v63, v2;
	_ =	sdelay $0x1  }
0x2d5: {  	[tilespmem:s29+$0xFFFFFFB0] =	vst v2  }
0x2d6: {  	v2 =	vld [tilespmem:$0xC0];
	_ =	sdelay $0x4  }
0x2d7: {  	v2 =	vsub.s32 v2, v1  }
0x2d8: {  	vm8 =	vgt.s32 v2, $0xFFFFFFE0  }
0x2d9: {  	v2 =	vnsel vm8, $0xFFFFFFE0, v2  }
0x2da: {  	vm0 =	vlt.s32 v2, $0x20  }
0x2db: {  	v2 =	vnsel vm0, $0x20, v2  }
0x2dc: {  	v2 =	vadd.s32 $0x21, v2  }
0x2dd: {  	v2 =	vmul.u32 v63, v2;
	_ =	sdelay $0x1  }
0x2de: {  	[tilespmem:s29+$0xFFFFFFC0] =	vst v2  }
0x2df: {  	v2 =	vld [tilespmem:$0xD0];
	_ =	sdelay $0x4  }
0x2e0: {  	v2 =	vsub.s32 v2, v1  }
0x2e1: {  	vm9 =	vgt.s32 v2, $0xFFFFFFE0  }
0x2e2: {  	v2 =	vnsel vm9, $0xFFFFFFE0, v2  }
0x2e3: {  	vm0 =	vlt.s32 v2, $0x20  }
0x2e4: {  	v2 =	vnsel vm0, $0x20, v2  }
0x2e5: {  	v2 =	vadd.s32 $0x21, v2  }
0x2e6: {  	v2 =	vmul.u32 v63, v2;
	_ =	sdelay $0x1  }
0x2e7: {  	[tilespmem:s29+$0xFFFFFFD0] =	vst v2  }
0x2e8: {  	v2 =	vld [tilespmem:$0xE0];
	_ =	sdelay $0x4  }
0x2e9: {  	v2 =	vsub.s32 v2, v1  }
0x2ea: {  	vm10 =	vgt.s32 v2, $0xFFFFFFE0  }
0x2eb: {  	v2 =	vnsel vm10, $0xFFFFFFE0, v2  }
0x2ec: {  	vm0 =	vlt.s32 v2, $0x20  }
0x2ed: {  	v2 =	vnsel vm0, $0x20, v2  }
0x2ee: {  	v2 =	vadd.s32 $0x21, v2  }
0x2ef: {  	v2 =	vmul.u32 v63, v2;
	_ =	sdelay $0x1  }
0x2f0: {  	[tilespmem:s29+$0xFFFFFFE0] =	vst v2  }
0x2f1: {  	v2 =	vld [tilespmem:$0xF0];
	_ =	sdelay $0x4  }
0x2f2: {  	v2 =	vsub.s32 v2, v1  }
0x2f3: {  	vm11 =	vgt.s32 v2, $0xFFFFFFE0  }
0x2f4: {  	v2 =	vnsel vm11, $0xFFFFFFE0, v2  }
0x2f5: {  	vm0 =	vlt.s32 v2, $0x20  }
0x2f6: {  	v2 =	vnsel vm0, $0x20, v2  }
0x2f7: {  	v2 =	vadd.s32 $0x21, v2  }
0x2f8: {  	v2 =	vmul.u32 v63, v2;
	_ =	sdelay $0x1  }
0x2f9: {  	[tilespmem:s29+$0xFFFFFFF0] =	vst v2  }
0x2fa: {  	v2 =	vld [tilespmem:$0x100];
	_ =	sdelay $0x4  }
0x2fb: {  	v2 =	vsub.s32 v2, v1  }
0x2fc: {  	vm12 =	vgt.s32 v2, $0xFFFFFFE0  }
0x2fd: {  	v2 =	vnsel vm12, $0xFFFFFFE0, v2  }
0x2fe: {  	vm0 =	vlt.s32 v2, $0x20  }
0x2ff: {  	v2 =	vnsel vm0, $0x20, v2  }
0x300: {  	v2 =	vadd.s32 $0x21, v2  }
0x301: {  	v2 =	vmul.u32 v63, v2;
	_ =	sdelay $0x1  }
0x302: {  	[tilespmem:s29+$0x0] =	vst v2  }
0x303: {  	v2 =	vld [tilespmem:$0x110];
	_ =	sdelay $0x4  }
0x304: {  	v2 =	vsub.s32 v2, v1  }
0x305: {  	vm13 =	vgt.s32 v2, $0xFFFFFFE0  }
0x306: {  	v2 =	vnsel vm13, $0xFFFFFFE0, v2  }
0x307: {  	vm0 =	vlt.s32 v2, $0x20  }
0x308: {  	v2 =	vnsel vm0, $0x20, v2  }
0x309: {  	v2 =	vadd.s32 $0x21, v2  }
0x30a: {  	v2 =	vmul.u32 v63, v2;
	_ =	sdelay $0x1  }
0x30b: {  	[tilespmem:s29+$0x10] =	vst v2  }
0x30c: {  	v2 =	vld [tilespmem:$0x120];
	_ =	sdelay $0x4  }
0x30d: {  	v2 =	vsub.s32 v2, v1  }
0x30e: {  	vm14 =	vgt.s32 v2, $0xFFFFFFE0  }
0x30f: {  	v2 =	vnsel vm14, $0xFFFFFFE0, v2  }
0x310: {  	vm0 =	vlt.s32 v2, $0x20  }
0x311: {  	v2 =	vnsel vm0, $0x20, v2  }
0x312: {  	v2 =	vadd.s32 $0x21, v2  }
0x313: {  	v2 =	vmul.u32 v63, v2;
	_ =	sdelay $0x1  }
0x314: {  	[tilespmem:s29+$0x20] =	vst v2  }
0x315: {  	v2 =	vld [tilespmem:$0x130];
	_ =	sdelay $0x4  }
0x316: {  	v2 =	vsub.s32 v2, v1  }
0x317: {  	vm15 =	vgt.s32 v2, $0xFFFFFFE0  }
0x318: {  	v2 =	vnsel vm15, $0xFFFFFFE0, v2  }
0x319: {  	vm0 =	vlt.s32 v2, $0x20  }
0x31a: {  	v2 =	vnsel vm0, $0x20, v2  }
0x31b: {  	v2 =	vadd.s32 $0x21, v2  }
0x31c: {  	v2 =	vmul.u32 v63, v2;
	_ =	sdelay $0x1  }
0x31d: {  	[tilespmem:s29+$0x30] =	vst v2  }
0x31e: {  	v2 =	vld [tilespmem:$0x140];
	_ =	sdelay $0x4  }
0x31f: {  	v2 =	vsub.s32 v2, v1  }
0x320: {  	vm4 =	vgt.s32 v2, $0xFFFFFFE0  }
0x321: {  	v2 =	vnsel vm4, $0xFFFFFFE0, v2  }
0x322: {  	vm0 =	vlt.s32 v2, $0x20  }
0x323: {  	v2 =	vnsel vm0, $0x20, v2  }
0x324: {  	v2 =	vadd.s32 $0x21, v2  }
0x325: {  	v2 =	vmul.u32 v63, v2;
	_ =	sdelay $0x1  }
0x326: {  	[tilespmem:s29+$0x40] =	vst v2  }
0x327: {  	v2 =	vld [tilespmem:$0x150];
	_ =	sdelay $0x4  }
0x328: {  	v2 =	vsub.s32 v2, v1  }
0x329: {  	vm5 =	vgt.s32 v2, $0xFFFFFFE0  }
0x32a: {  	v2 =	vnsel vm5, $0xFFFFFFE0, v2  }
0x32b: {  	vm0 =	vlt.s32 v2, $0x20  }
0x32c: {  	v2 =	vnsel vm0, $0x20, v2  }
0x32d: {  	v2 =	vadd.s32 $0x21, v2  }
0x32e: {  	v2 =	vmul.u32 v63, v2;
	_ =	sdelay $0x1  }
0x32f: {  	[tilespmem:s29+$0x50] =	vst v2  }
0x330: {  	v2 =	vld [tilespmem:$0x160];
	_ =	sdelay $0x4  }
0x331: {  	v2 =	vsub.s32 v2, v1  }
0x332: {  	vm6 =	vgt.s32 v2, $0xFFFFFFE0  }
0x333: {  	v2 =	vnsel vm6, $0xFFFFFFE0, v2  }
0x334: {  	vm0 =	vlt.s32 v2, $0x20  }
0x335: {  	v2 =	vnsel vm0, $0x20, v2  }
0x336: {  	v2 =	vadd.s32 $0x21, v2  }
0x337: {  	v2 =	vmul.u32 v63, v2;
	_ =	sdelay $0x1  }
0x338: {  	[tilespmem:s29+$0x60] =	vst v2  }
0x339: {  	v2 =	vld [tilespmem:$0x170];
	_ =	sdelay $0x4  }
0x33a: {  	v2 =	vsub.s32 v2, v1  }
0x33b: {  	vm7 =	vgt.s32 v2, $0xFFFFFFE0  }
0x33c: {  	v2 =	vnsel vm7, $0xFFFFFFE0, v2  }
0x33d: {  	vm0 =	vlt.s32 v2, $0x20  }
0x33e: {  	v2 =	vnsel vm0, $0x20, v2  }
0x33f: {  	v2 =	vadd.s32 $0x21, v2  }
0x340: {  	v2 =	vmul.u32 v63, v2;
	_ =	sdelay $0x1  }
0x341: {  	[tilespmem:s29+$0x70] =	vst v2  }
0x342: {  	v2 =	vld [tilespmem:$0x180];
	_ =	sdelay $0x4  }
0x343: {  	v2 =	vsub.s32 v2, v1  }
0x344: {  	vm8 =	vgt.s32 v2, $0xFFFFFFE0  }
0x345: {  	v2 =	vnsel vm8, $0xFFFFFFE0, v2  }
0x346: {  	vm0 =	vlt.s32 v2, $0x20  }
0x347: {  	v2 =	vnsel vm0, $0x20, v2  }
0x348: {  	v2 =	vadd.s32 $0x21, v2  }
0x349: {  	v2 =	vmul.u32 v63, v2;
	_ =	sdelay $0x1  }
0x34a: {  	[tilespmem:s29+$0x80] =	vst v2  }
0x34b: {  	v2 =	vld [tilespmem:$0x190];
	_ =	sdelay $0x4  }
0x34c: {  	v2 =	vsub.s32 v2, v1  }
0x34d: {  	vm9 =	vgt.s32 v2, $0xFFFFFFE0  }
0x34e: {  	v2 =	vnsel vm9, $0xFFFFFFE0, v2  }
0x34f: {  	vm0 =	vlt.s32 v2, $0x20  }
0x350: {  	v2 =	vnsel vm0, $0x20, v2  }
0x351: {  	v2 =	vadd.s32 $0x21, v2  }
0x352: {  	v2 =	vmul.u32 v63, v2;
	_ =	sdelay $0x1  }
0x353: {  	[tilespmem:s29+$0x90] =	vst v2  }
0x354: {  	v2 =	vld [tilespmem:$0x1A0];
	_ =	sdelay $0x4  }
0x355: {  	v2 =	vsub.s32 v2, v1  }
0x356: {  	vm10 =	vgt.s32 v2, $0xFFFFFFE0  }
0x357: {  	v2 =	vnsel vm10, $0xFFFFFFE0, v2  }
0x358: {  	vm0 =	vlt.s32 v2, $0x20  }
0x359: {  	v2 =	vnsel vm0, $0x20, v2  }
0x35a: {  	v2 =	vadd.s32 $0x21, v2  }
0x35b: {  	v2 =	vmul.u32 v63, v2;
	_ =	sdelay $0x1  }
0x35c: {  	[tilespmem:s29+$0xA0] =	vst v2  }
0x35d: {  	v2 =	vld [tilespmem:$0x1B0];
	_ =	sdelay $0x4  }
0x35e: {  	v2 =	vsub.s32 v2, v1  }
0x35f: {  	vm11 =	vgt.s32 v2, $0xFFFFFFE0  }
0x360: {  	v2 =	vnsel vm11, $0xFFFFFFE0, v2  }
0x361: {  	vm0 =	vlt.s32 v2, $0x20  }
0x362: {  	v2 =	vnsel vm0, $0x20, v2  }
0x363: {  	v2 =	vadd.s32 $0x21, v2  }
0x364: {  	v2 =	vmul.u32 v63, v2;
	_ =	sdelay $0x1  }
0x365: {  	[tilespmem:s29+$0xB0] =	vst v2  }
0x366: {  	v2 =	vld [tilespmem:$0x1C0];
	_ =	sdelay $0x4  }
0x367: {  	v2 =	vsub.s32 v2, v1  }
0x368: {  	vm12 =	vgt.s32 v2, $0xFFFFFFE0  }
0x369: {  	v2 =	vnsel vm12, $0xFFFFFFE0, v2  }
0x36a: {  	vm0 =	vlt.s32 v2, $0x20  }
0x36b: {  	v2 =	vnsel vm0, $0x20, v2  }
0x36c: {  	v2 =	vadd.s32 $0x21, v2  }
0x36d: {  	v2 =	vmul.u32 v63, v2;
	_ =	sdelay $0x1  }
0x36e: {  	[tilespmem:s29+$0xC0] =	vst v2  }
0x36f: {  	v2 =	vld [tilespmem:$0x1D0];
	_ =	sdelay $0x4  }
0x370: {  	v2 =	vsub.s32 v2, v1  }
0x371: {  	vm13 =	vgt.s32 v2, $0xFFFFFFE0  }
0x372: {  	v2 =	vnsel vm13, $0xFFFFFFE0, v2  }
0x373: {  	vm0 =	vlt.s32 v2, $0x20  }
0x374: {  	v2 =	vnsel vm0, $0x20, v2  }
0x375: {  	v2 =	vadd.s32 $0x21, v2  }
0x376: {  	v2 =	vmul.u32 v63, v2;
	_ =	sdelay $0x1  }
0x377: {  	[tilespmem:s29+$0xD0] =	vst v2  }
0x378: {  	v2 =	vld [tilespmem:$0x1E0];
	_ =	sdelay $0x4  }
0x379: {  	v2 =	vsub.s32 v2, v1  }
0x37a: {  	vm14 =	vgt.s32 v2, $0xFFFFFFE0  }
0x37b: {  	v2 =	vnsel vm14, $0xFFFFFFE0, v2  }
0x37c: {  	vm0 =	vlt.s32 v2, $0x20  }
0x37d: {  	v2 =	vnsel vm0, $0x20, v2  }
0x37e: {  	v2 =	vadd.s32 $0x21, v2  }
0x37f: {  	v2 =	vmul.u32 v63, v2;
	_ =	sdelay $0x1  }
0x380: {  	[tilespmem:s29+$0xE0] =	vst v2  }
0x381: {  	v2 =	vld [tilespmem:$0x1F0];
	_ =	sdelay $0x4  }
0x382: {  	v1 =	vsub.s32 v2, v1  }
0x383: {  	vm15 =	vgt.s32 v1, $0xFFFFFFE0  }
0x384: {  	v1 =	vnsel vm15, $0xFFFFFFE0, v1  }
0x385: {  	vm0 =	vlt.s32 v1, $0x20  }
0x386: {  	v1 =	vnsel vm0, $0x20, v1  }
0x387: {  	v1 =	vadd.s32 $0x21, v1  }
0x388: {  	v0 =	vmul.u32 v63, v1;
	_ =	sdelay $0x1  }
0x389: {  	[tilespmem:s29+$0xF0] =	vst v0  }
0x38a: {  	[tilespmem:s17], [sflag:$0x1] =	stream.indirect.gather [spmem:s3], $0x80, s16, s15, $0xb8;
	[tilespmem:$0xA710] =	vst v63  }
0x38b: {  	_ = 	snop  }
0x38c: {  	[tilespmem:s19], [sflag:$0x2] =	stream.indirect.gather [spmem:s3], $0x80, s18, s15, $0xb8;
	[tilespmem:$0xA710] =	vst v63  }
0x38d: {  	_ =	swait.ge [sflag:s20], $0x4000  }
0x38e: {  	[sflag:s20] =	ssyncset.done $0x0  }
0x38f: {  	s30 =	sadd.s32 $0x0, s11;
	[sflag:s20] =	ssyncadd.s32 $0xFFFFC000  }
0x390: {  	[hbm4b:s30+s4] =	stream.linear.scatter [tilespmem:s17], [sflag:$0x3], $0x4000, $0x38;
	[tilespmem:$0xA710] =	vst v63  }
0x391: {  	_ =	swait.ge [sflag:s21], $0x4000  }
0x392: {  	[sflag:s21] =	ssyncset.done $0x0  }
0x393: {  	s31 =	simm.s32 $0x810;
	[sflag:s21] =	ssyncadd.s32 $0xFFFFC000  }
0x394: {  	[tilespmem:s17], [sflag:$0x1] =	stream.indirect.gather [spmem:s3], $0x80, s31, s15, $0xb8;
	[tilespmem:$0xA710] =	vst v63  }
0x395: {  	_ =	swait.ge [sflag:s22], $0x4000  }
0x396: {  	[sflag:s22] =	ssyncset.done $0x0  }
0x397: {  	s25 =	sadd.s32 $0x800, s30;
	[sflag:s22] =	ssyncadd.s32 $0xFFFFC000  }
0x398: {  	[hbm4b:s25+s4] =	stream.linear.scatter [tilespmem:s19], [sflag:$0x4], $0x4000, $0x38;
	[tilespmem:$0xA710] =	vst v63  }
0x399: {  	_ =	swait.ge [sflag:s23], $0x4000  }
0x39a: {  	s28 =	simm.s32 $0x990;
	[sflag:s23] =	ssyncset.done $0x0  }
0x39b: {  	s26 =	simm.s32 $0x1000;
	s25 =	simm.s32 $0x890;
	[sflag:s23] =	ssyncadd.s32 $0xFFFFC000  }
.LBB2_4:
0x39c: {  	[tilespmem:s19], [sflag:$0x2] =	stream.indirect.gather [spmem:s3], $0x80, s25, s15, $0xb8;
	[tilespmem:$0xA710] =	vst v63  }
0x39d: {  	s29 =	smov.u32 s26;
	s25 =	smov.u32 s28  }
0x39e: {  	p1 =	sne.s32 s26, $0x1E000;
	s26 =	sadd.s32 $0x1000, s26;
	_ =	swait.ge [sflag:s20], $0x4000  }
0x39f: {  	[sflag:s20] =	ssyncset.done $0x0  }
0x3a0: {  	s29 =	sadd.s32 s29, s11;
	[sflag:s20] =	ssyncadd.s32 $0xFFFFC000  }
0x3a1: {  	[hbm4b:s29+s4] =	stream.linear.scatter [tilespmem:s17], [sflag:$0x3], $0x4000, $0x38;
	[tilespmem:$0xA710] =	vst v63  }
0x3a2: {  	_ =	swait.ge [sflag:s21], $0x4000  }
0x3a3: {  	[sflag:s21] =	ssyncset.done $0x0  }
0x3a4: {  	s30 =	sadd.s32 $0xFFFFFF80, s28;
	[sflag:s21] =	ssyncadd.s32 $0xFFFFC000  }
0x3a5: {  	[tilespmem:s17], [sflag:$0x1] =	stream.indirect.gather [spmem:s3], $0x80, s30, s15, $0xb8;
	[tilespmem:$0xA710] =	vst v63  }
0x3a6: {  	_ =	swait.ge [sflag:s22], $0x4000  }
0x3a7: {  	[sflag:s22] =	ssyncset.done $0x0  }
.Ltmp1:
0x3a8: {  	s29 =	sadd.s32 $0x800, s29;
	[sflag:s22] =	ssyncadd.s32 $0xFFFFC000;
	(pc) =	sbr.rel @p1 .LBB2_4-.Ltmp1, $4  }
0x3a9: {  	[hbm4b:s29+s4] =	stream.linear.scatter [tilespmem:s19], [sflag:$0x4], $0x4000, $0x38;
	[tilespmem:$0xA710] =	vst v63  }
0x3aa: {  	_ =	swait.ge [sflag:s23], $0x4000  }
0x3ab: {  	[sflag:s23] =	ssyncset.done $0x0  }
0x3ac: {  	s28 =	sadd.s32 $0x100, s28;
	[sflag:s23] =	ssyncadd.s32 $0xFFFFC000  }
0x3ad: {  	[tilespmem:s19], [sflag:$0x2] =	stream.indirect.gather [spmem:s3], $0x80, s25, s15, $0xb8;
	[tilespmem:$0xA710] =	vst v63  }
0x3ae: {  	_ =	swait.ge [sflag:s20], $0x4000  }
0x3af: {  	[sflag:s20] =	ssyncset.done $0x0  }
0x3b0: {  	[sflag:s20] =	ssyncadd.s32 $0xFFFFC000  }
0x3b1: {  	[hbm4b:s7+s4] =	stream.linear.scatter [tilespmem:s17], [sflag:$0x3], $0x4000, $0x38;
	[tilespmem:$0xA710] =	vst v63  }
0x3b2: {  	_ =	swait.ge [sflag:s21], $0x4000  }
0x3b3: {  	[sflag:s21] =	ssyncset.done $0x0  }
0x3b4: {  	[sflag:s21] =	ssyncadd.s32 $0xFFFFC000  }
0x3b5: {  	s24 =	sadd.s32 $0x1, s24;
	_ =	swait.ge [sflag:s22], $0x4000  }
0x3b6: {  	p1 =	sne.s32 s24, s6;
	[sflag:s22] =	ssyncset.done $0x0  }
.Ltmp2:
0x3b7: {  	[sflag:s22] =	ssyncadd.s32 $0xFFFFC000;
	(pc) =	sbr.rel @p1 .LBB2_1-.Ltmp2, $4  }
0x3b8: {  	[hbm4b:s9+s4] =	stream.linear.scatter [tilespmem:s19], [sflag:$0x4], $0x4000, $0x38;
	[tilespmem:$0xA710] =	vst v63  }
0x3b9: {  	_ =	swait.ge [sflag:s23], $0x4000  }
0x3ba: {  	[sflag:s23] =	ssyncset.done $0x0  }
0x3bb: {  	[sflag:s23] =	ssyncadd.s32 $0xFFFFC000  }
0x3bc: {  	_ =	sfence.sel $0x180000  }
0x3bd: {  	[bflag:$0x0] =	sbarrier.arrive $0xFFFF  }
0x3be: {  	_ =	strace $0x90000047  }
0x3bf: {  	s0 =	sadd.s32 @!p0 $0x100000, s0;
	[bflag:$0x2] =	sbarrier.arrive $0xFFFF  }
0x3c0: {  	[sflag:s0] =	ssyncadd.tile.s32 @!p0 $0x1;
	_ =	shalt  }
.Lfunc_end2:
_tile_overlayer_lowered:
.L_overlay_start_2:
0x3c1: {  	(tag) =	ssettag $0x2  }
0x3c2: {  	s0 =	rddreg [dreg:$0x0];
	s2 =	stileid.u32  }
0x3c3: {  	s1 =	rddreg [dreg:$0x1];
	p0 =	sne.s32 s2, $0x0  }
0x3c4: {  	s3 =	rddreg [dreg:$0x2];
	[bflag:$0x3] =	sbarrier.arrive $0xFFFF;
	s2 =	simm.s32 @!p0 $0x1C05  }
0x3c5: {  	[timem:s3], [sflag:s2] =	dma.local @!p0 [hbm:s0], s1  }
0x3c6: {  	s0 =	simm.s32 @!p0 $0x5  }
0x3c7: {  	_ =	swait.ge @!p0 [sflag:s0], s1  }
0x3c8: {  	s1 =	ssub.s32 @!p0 $0x0, s1;
	[sflag:s0] =	ssyncset.done @!p0 $0x0  }
0x3c9: {  	[sflag:s0] =	ssyncadd.s32 @!p0 s1  }
0x3ca: {  	[bflag:$0x3] =	sbarrier.arrive $0xFFFF  }
0x3cb: {  	_ =	shalt  }

</sc_bundles>
